<compile_context>
chip_gen: v7x
topology: tpu7x:2x2x1
jax: 0.10.2.dev20260603
libtpu: 0.0.44.dev20260713+nightly
codegen_flags: <defaults>
</compile_context>

<pallas_src>
import functools

import jax
import jax.numpy as jnp
from jax import lax
from jax.experimental import pallas as pl
from jax.experimental.pallas import tpu as pltpu
from jax.experimental.pallas import tpu_sc as plsc

N = 10000
D = 128
E = 320000

NC, NS = 2, 16
NW = NC * NS
CHUNK = 64
K = 160
IG = 32
NG = K // IG
EPW = K * CHUNK
E_PAD = NW * EPW
N_PAD = 10240
RPT = N_PAD // NS
D1 = D + 16
PAD_DST = N
NBUF = 2


def _make_sc_aggregate(width):
    mesh = plsc.VectorSubcoreMesh(
        core_axis_name="c", subcore_axis_name="s", num_cores=NC, num_subcores=NS
    )

    @functools.partial(
        pl.kernel,
        out_type=jax.ShapeDtypeStruct((NC * N_PAD, width), jnp.float32),
        mesh=mesh,
        compiler_params=pltpu.CompilerParams(use_tc_tiling_on_sc=False),
        scratch_types=[
            pltpu.VMEM((IG, CHUNK), jnp.int32),
            pltpu.VMEM((IG, CHUNK), jnp.int32),
            pltpu.VMEM((NBUF, CHUNK, width), jnp.float32),
            pltpu.VMEM_SHARED((N_PAD, width), jnp.float32),
            [pltpu.SemaphoreType.DMA] * NBUF,
        ],
    )
    def agg(table, srcidx, dstidx, zrows, out, sidx_v, didx_v, rows_v, acc_sh,
            gsems):
        c = lax.axis_index("c")
        s = lax.axis_index("s")
        wid = s * NC + c

        pltpu.sync_copy(zrows, acc_sh.at[pl.ds(s * RPT, RPT)])
        plsc.subcore_barrier()

        @pl.loop(0, NG)
        def _(g):
            base = wid * K + g * IG
            pltpu.sync_copy(srcidx.at[pl.ds(base, IG)], sidx_v)
            pltpu.sync_copy(dstidx.at[pl.ds(base, IG)], didx_v)

            for b in range(NBUF):
                pltpu.async_copy(table.at[sidx_v.at[b]], rows_v.at[b], gsems[b])

            @pl.loop(0, IG, step=NBUF)
            def _(t):
                for b in range(NBUF):
                    j = t + b
                    pltpu.make_async_copy(
                        table.at[sidx_v.at[j]], rows_v.at[b], gsems[b]
                    ).wait()
                    pltpu.sync_copy(
                        rows_v.at[b], acc_sh.at[didx_v.at[j]], add=True
                    )

                    @pl.when(j + NBUF < IG)
                    def _():
                        pltpu.async_copy(
                            table.at[sidx_v.at[j + NBUF]], rows_v.at[b],
                            gsems[b],
                        )

        plsc.subcore_barrier()
        pltpu.sync_copy(
            acc_sh.at[pl.ds(s * RPT, RPT)],
            out.at[pl.ds(c * N_PAD + s * RPT, RPT)],
        )

    return agg


_sc_aggregate_d1 = _make_sc_aggregate(D1)
_sc_aggregate_d = _make_sc_aggregate(D)

M_BLK = 1024


def _tc_layer1_body(p_ref, x_ref, wl_ref, bl_ref, wr_ref, h_ref, r_ref):
    ps = p_ref[0] + p_ref[1]
    agg = ps[:, :D]
    deg = ps[:, D:D + 1]
    r = 1.0 / jnp.maximum(deg, 1.0)
    h = (
        jnp.dot(agg * r, wl_ref[...], preferred_element_type=jnp.float32)
        + bl_ref[...]
        + jnp.dot(x_ref[...][:, :D], wr_ref[...], preferred_element_type=jnp.float32)
    )
    h_ref[...] = jnp.maximum(h, 0.0)
    r_ref[...] = jnp.broadcast_to(r, (M_BLK, D))


def _tc_layer2_body(p_ref, h_ref, r_ref, wl_ref, bl_ref, wr_ref, o_ref):
    agg = p_ref[0] + p_ref[1]
    r = r_ref[...]
    o_ref[...] = (
        jnp.dot(agg * r, wl_ref[...], preferred_element_type=jnp.float32)
        + bl_ref[...]
        + jnp.dot(h_ref[...], wr_ref[...], preferred_element_type=jnp.float32)
    )


def _tc_layer1(p, x_aug, wlT, bl, wrT):
    grid = (N_PAD // M_BLK,)
    return pl.pallas_call(
        _tc_layer1_body,
        grid=grid,
        in_specs=[
            pl.BlockSpec((NC, M_BLK, D1), lambda i: (0, i, 0)),
            pl.BlockSpec((M_BLK, D1), lambda i: (i, 0)),
            pl.BlockSpec((D, D), lambda i: (0, 0)),
            pl.BlockSpec((1, D), lambda i: (0, 0)),
            pl.BlockSpec((D, D), lambda i: (0, 0)),
        ],
        out_specs=[
            pl.BlockSpec((M_BLK, D), lambda i: (i, 0)),
            pl.BlockSpec((M_BLK, 128), lambda i: (i, 0)),
        ],
        out_shape=[
            jax.ShapeDtypeStruct((N_PAD, D), jnp.float32),
            jax.ShapeDtypeStruct((N_PAD, 128), jnp.float32),
        ],
    )(p, x_aug, wlT, bl, wrT)


def _tc_layer2(p, h1, r2d, wlT, bl, wrT):
    grid = (N_PAD // M_BLK,)
    return pl.pallas_call(
        _tc_layer2_body,
        grid=grid,
        in_specs=[
            pl.BlockSpec((NC, M_BLK, D), lambda i: (0, i, 0)),
            pl.BlockSpec((M_BLK, D), lambda i: (i, 0)),
            pl.BlockSpec((M_BLK, 128), lambda i: (i, 0)),
            pl.BlockSpec((D, D), lambda i: (0, 0)),
            pl.BlockSpec((1, D), lambda i: (0, 0)),
            pl.BlockSpec((D, D), lambda i: (0, 0)),
        ],
        out_specs=pl.BlockSpec((M_BLK, D), lambda i: (i, 0)),
        out_shape=jax.ShapeDtypeStruct((N_PAD, D), jnp.float32),
    )(p, h1, r2d, wlT, bl, wrT)


def kernel(x, edge_index, Wl1, bl1, Wr1, Wl2, bl2, Wr2):
    src = edge_index[0].astype(jnp.int32)
    dst = edge_index[1].astype(jnp.int32)
    src_p = jnp.concatenate([src, jnp.zeros((E_PAD - E,), jnp.int32)])
    dst_p = jnp.concatenate([dst, jnp.full((E_PAD - E,), PAD_DST, jnp.int32)])
    src_r = src_p.reshape(NW * K, CHUNK)
    dst_r = dst_p.reshape(NW * K, CHUNK)

    x_aug = jnp.zeros((N_PAD, D1), jnp.float32)
    x_aug = x_aug.at[:N, :D].set(x)
    x_aug = x_aug.at[:N, D:].set(1.0)

    zrows1 = jnp.zeros((RPT, D1), jnp.float32)
    zrows2 = jnp.zeros((RPT, D), jnp.float32)

    p1 = _sc_aggregate_d1(x_aug, src_r, dst_r, zrows1).reshape(NC, N_PAD, D1)
    h1, r2d = _tc_layer1(p1, x_aug, Wl1.T, bl1.reshape(1, D), Wr1.T)

    p2 = _sc_aggregate_d(h1, src_r, dst_r, zrows2).reshape(NC, N_PAD, D)
    out = _tc_layer2(p2, h1, r2d, Wl2.T, bl2.reshape(1, D), Wr2.T)

    return out[:N]

# --- scband reference (transcript-rebuilt; emitter-appended) ---
"""Pipeline reference for scband-graph-sageencoder-46866683134377 (READ-ONLY COPY).

The authoritative reference and input builder live on the scoring server;
editing this copy changes nothing except your own understanding.
"""

import jax, jax.numpy as jnp
import numpy as np

N_NODES = 10000
D_IN = 128
D_OUT = 128
N_EDGES = 320000


def _init_linear(key, out_dim, in_dim, bias=True):
    # torch nn.Linear default init: U(-1/sqrt(in), 1/sqrt(in))
    k1, k2 = jax.random.split(key)
    bound = 1.0 / np.sqrt(in_dim)
    W = jax.random.uniform(k1, (out_dim, in_dim), minval=-bound, maxval=bound, dtype=jnp.float32)
    if bias:
        b = jax.random.uniform(k2, (out_dim,), minval=-bound, maxval=bound, dtype=jnp.float32)
        return W, b
    return W, None


def setup_inputs(seed: int = 0) -> dict:
    key = jax.random.key(seed)
    ks = jax.random.split(key, 8)
    x = jax.random.normal(ks[0], (N_NODES, D_IN), dtype=jnp.float32)
    edge_index = jax.random.randint(ks[1], (2, N_EDGES), 0, N_NODES, dtype=jnp.int64 if jax.config.jax_enable_x64 else jnp.int32)
    Wl1, bl1 = _init_linear(ks[2], D_OUT, D_IN, bias=True)
    Wr1, _ = _init_linear(ks[3], D_OUT, D_IN, bias=False)
    Wl2, bl2 = _init_linear(ks[4], D_OUT, D_OUT, bias=True)
    Wr2, _ = _init_linear(ks[5], D_OUT, D_OUT, bias=False)
    return {"x": x, "edge_index": edge_index, "Wl1": Wl1, "bl1": bl1, "Wr1": Wr1, "Wl2": Wl2, "bl2": bl2, "Wr2": Wr2}


def _sage_conv(h, src, dst, Wl, bl, Wr, n_nodes):
    # PyG SAGEConv (aggr='mean', root_weight=True):
    #   out = lin_l(mean_{j in N(i)} h_j) + lin_r(h_i)
    msg = jnp.take(h, src, axis=0)                                  # gather over source nodes
    agg = jax.ops.segment_sum(msg, dst, num_segments=n_nodes)       # scatter-add by dst
    deg = jax.ops.segment_sum(jnp.ones((src.shape[0],), dtype=h.dtype), dst, num_segments=n_nodes)
    mean = agg / jnp.maximum(deg, 1.0)[:, None]
    return mean @ Wl.T + bl + h @ Wr.T


def reference(x, edge_index, Wl1, bl1, Wr1, Wl2, bl2, Wr2):
    src = edge_index[0]
    dst = edge_index[1]
    n_nodes = x.shape[0]
    h = _sage_conv(x, src, dst, Wl1, bl1, Wr1, n_nodes)
    h = jax.nn.relu(h)
    # dropout is identity in eval mode (training=False)
    h = _sage_conv(h, src, dst, Wl2, bl2, Wr2, n_nodes)
    return h

if __name__ == "__main__":
    import jax
    _d = setup_inputs()
    print(jax.jit(kernel)(*tuple(_d.values())))

</pallas_src>

<mosaic_0001>
#map = affine_map<(d0, d1) -> (0, 0)>
module attributes {stable_mosaic.version = 14 : i64} {
  func.func @agg(%arg0: i32, %arg1: i32, %arg2: memref<10240x144xf32, #tpu.memory_space<hbm>>, %arg3: memref<5120x64xi32, #tpu.memory_space<hbm>>, %arg4: memref<5120x64xi32, #tpu.memory_space<hbm>>, %arg5: memref<640x144xf32, #tpu.memory_space<hbm>>, %arg6: memref<20480x144xf32, #tpu.memory_space<hbm>>, %arg7: memref<32x64xi32, #tpu.memory_space<vmem>>, %arg8: memref<32x64xi32, #tpu.memory_space<vmem>>, %arg9: memref<2x64x144xf32, #tpu.memory_space<vmem>>, %arg10: memref<10240x144xf32, #tpu.memory_space<vmem_shared>>, %arg11: memref<!tpu.dma_semaphore, #tpu.memory_space<semaphore_mem>>, %arg12: memref<!tpu.dma_semaphore, #tpu.memory_space<semaphore_mem>>) attributes {dimension_semantics = [#tpu.dimension_semantics<core_parallel>, #tpu.dimension_semantics<subcore_parallel>], iteration_bounds = array<i64: 2, 16>, scalar_prefetch = 0 : i64, scratch_operands = 6 : i64, tpu.core_type = #tpu.core_type<sc_vector_subcore>, window_params = [{transform_indices = #map}, {transform_indices = #map}, {transform_indices = #map}, {transform_indices = #map}, {transform_indices = #map}]} {
    %mul3A = arith.constant 2 : i32
    %mul3A_0 = arith.muli %arg1, %mul3A : i32
    %add3A = arith.addi %mul3A_0, %arg0 : i32
    %mul3A_1 = arith.constant 640 : i32
    %mul3A_2 = arith.muli %arg1, %mul3A_1 : i32
    "tpu.region"() ({
      %run_scoped3A = tpu.sem_alloc : memref<!tpu.dma_semaphore, #tpu.memory_space<semaphore_mem>>
      %dma_start3A = arith.constant 0 : i32
      %dma_start3A_15 = tpu.memref_slice %arg10[%mul3A_2, %dma_start3A] : memref<10240x144xf32, #tpu.memory_space<vmem_shared>> -> memref<640x144xf32, #tpu.memory_space<vmem_shared>>
      tpu.enqueue_dma source(%arg5 : memref<640x144xf32, #tpu.memory_space<hbm>>) target(%dma_start3A_15 : memref<640x144xf32, #tpu.memory_space<vmem_shared>>) target_semaphore(%run_scoped3A : memref<!tpu.dma_semaphore, #tpu.memory_space<semaphore_mem>>)
      %dma_wait3A = arith.constant 0 : i32
      %dma_wait3A_16 = tpu.memref_slice %arg10[%mul3A_2, %dma_wait3A] : memref<10240x144xf32, #tpu.memory_space<vmem_shared>> -> memref<640x144xf32, #tpu.memory_space<vmem_shared>>
      tpu.wait_dma2 semaphore(%run_scoped3A : memref<!tpu.dma_semaphore, #tpu.memory_space<semaphore_mem>>) src(%arg5 : memref<640x144xf32, #tpu.memory_space<hbm>>) dst(%dma_wait3A_16 : memref<640x144xf32, #tpu.memory_space<vmem_shared>>)
      tpu.yield
    }) : () -> ()
    %barrier3A = arith.constant 0 : index
    tpu.barrier barrier_id(%barrier3A)
    %scan3A = arith.constant 0 : i32
    %scan3A_3 = arith.constant 5 : i32
    %scan3A_4 = arith.addi %scan3A, %scan3A_3 : i32
    %scan3A_5 = arith.constant 1 : i32
    scf.for %scan3A_15 = %scan3A to %scan3A_4 step %scan3A_5  : i32 {
      %mul3A_16 = arith.constant 1 : i32
      %mul3A_17 = arith.muli %scan3A_15, %mul3A_16 : i32
      %add3A_18 = arith.constant 0 : i32
      %add3A_19 = arith.addi %add3A_18, %mul3A_17 : i32
      %mul3A_20 = arith.constant 160 : i32
      %mul3A_21 = arith.muli %add3A, %mul3A_20 : i32
      %mul3A_22 = arith.constant 32 : i32
      %mul3A_23 = arith.muli %add3A_19, %mul3A_22 : i32
      %add3A_24 = arith.addi %mul3A_21, %mul3A_23 : i32
      "tpu.region"() ({
        %run_scoped3A = tpu.sem_alloc : memref<!tpu.dma_semaphore, #tpu.memory_space<semaphore_mem>>
        %dma_start3A_53 = arith.constant 0 : i32
        %dma_start3A_54 = tpu.memref_slice %arg3[%add3A_24, %dma_start3A_53] : memref<5120x64xi32, #tpu.memory_space<hbm>> -> memref<32x64xi32, #tpu.memory_space<hbm>>
        %dma_start3A_55 = arith.constant 0 : i32
        %dma_start3A_56 = tpu.memref_slice %arg3[%add3A_24, %dma_start3A_55] : memref<5120x64xi32, #tpu.memory_space<hbm>> -> memref<32x64xi32, #tpu.memory_space<hbm>>
        tpu.enqueue_dma source(%dma_start3A_56 : memref<32x64xi32, #tpu.memory_space<hbm>>) target(%arg7 : memref<32x64xi32, #tpu.memory_space<vmem>>) target_semaphore(%run_scoped3A : memref<!tpu.dma_semaphore, #tpu.memory_space<semaphore_mem>>)
        %dma_wait3A = arith.constant 0 : i32
        %dma_wait3A_57 = tpu.memref_slice %arg3[%add3A_24, %dma_wait3A] : memref<5120x64xi32, #tpu.memory_space<hbm>> -> memref<32x64xi32, #tpu.memory_space<hbm>>
        %dma_wait3A_58 = arith.constant 0 : i32
        %dma_wait3A_59 = tpu.memref_slice %arg3[%add3A_24, %dma_wait3A_58] : memref<5120x64xi32, #tpu.memory_space<hbm>> -> memref<32x64xi32, #tpu.memory_space<hbm>>
        tpu.wait_dma2 semaphore(%run_scoped3A : memref<!tpu.dma_semaphore, #tpu.memory_space<semaphore_mem>>) src(%dma_wait3A_59 : memref<32x64xi32, #tpu.memory_space<hbm>>) dst(%arg7 : memref<32x64xi32, #tpu.memory_space<vmem>>)
        tpu.yield
      }) : () -> ()
      "tpu.region"() ({
        %run_scoped3A = tpu.sem_alloc : memref<!tpu.dma_semaphore, #tpu.memory_space<semaphore_mem>>
        %dma_start3A_53 = arith.constant 0 : i32
        %dma_start3A_54 = tpu.memref_slice %arg4[%add3A_24, %dma_start3A_53] : memref<5120x64xi32, #tpu.memory_space<hbm>> -> memref<32x64xi32, #tpu.memory_space<hbm>>
        %dma_start3A_55 = arith.constant 0 : i32
        %dma_start3A_56 = tpu.memref_slice %arg4[%add3A_24, %dma_start3A_55] : memref<5120x64xi32, #tpu.memory_space<hbm>> -> memref<32x64xi32, #tpu.memory_space<hbm>>
        tpu.enqueue_dma source(%dma_start3A_56 : memref<32x64xi32, #tpu.memory_space<hbm>>) target(%arg8 : memref<32x64xi32, #tpu.memory_space<vmem>>) target_semaphore(%run_scoped3A : memref<!tpu.dma_semaphore, #tpu.memory_space<semaphore_mem>>)
        %dma_wait3A = arith.constant 0 : i32
        %dma_wait3A_57 = tpu.memref_slice %arg4[%add3A_24, %dma_wait3A] : memref<5120x64xi32, #tpu.memory_space<hbm>> -> memref<32x64xi32, #tpu.memory_space<hbm>>
        %dma_wait3A_58 = arith.constant 0 : i32
        %dma_wait3A_59 = tpu.memref_slice %arg4[%add3A_24, %dma_wait3A_58] : memref<5120x64xi32, #tpu.memory_space<hbm>> -> memref<32x64xi32, #tpu.memory_space<hbm>>
        tpu.wait_dma2 semaphore(%run_scoped3A : memref<!tpu.dma_semaphore, #tpu.memory_space<semaphore_mem>>) src(%dma_wait3A_59 : memref<32x64xi32, #tpu.memory_space<hbm>>) dst(%arg8 : memref<32x64xi32, #tpu.memory_space<vmem>>)
        tpu.yield
      }) : () -> ()
      %dma_start3A = arith.constant 0 : i32
      %dma_start3A_25 = arith.constant 0 : i32
      %dma_start3A_26 = arith.constant 0 : i32
      %dma_start3A_27 = arith.constant 0 : i32
      %dma_start3A_28 = tpu.memref_slice %arg9[%dma_start3A_25, %dma_start3A_26, %dma_start3A_27] : memref<2x64x144xf32, #tpu.memory_space<vmem>> -> memref<1x64x144xf32, #tpu.memory_space<vmem>>
      %dma_start3A_29 = tpu.memref_squeeze %dma_start3A_28 : memref<1x64x144xf32, #tpu.memory_space<vmem>> -> memref<64x144xf32, #tpu.memory_space<vmem>>
      %dma_start3A_30 = arith.constant 0 : i32
      %dma_start3A_31 = tpu.memref_slice %arg7[%dma_start3A, %dma_start3A_30] : memref<32x64xi32, #tpu.memory_space<vmem>> -> memref<1x64xi32, #tpu.memory_space<vmem>>
      %dma_start3A_32 = tpu.memref_squeeze %dma_start3A_31 : memref<1x64xi32, #tpu.memory_space<vmem>> -> memref<64xi32, #tpu.memory_space<vmem>>
      %dma_start3A_33 = arith.constant 0 : i32
      %dma_start3A_34 = arith.constant 0 : i32
      %dma_start3A_35 = tpu.memref_slice %arg2[%dma_start3A_33, %dma_start3A_34] : memref<10240x144xf32, #tpu.memory_space<hbm>> -> memref<10240x144xf32, #tpu.memory_space<hbm>>
      tpu.enqueue_indirect_dma source(%dma_start3A_35 : memref<10240x144xf32, #tpu.memory_space<hbm>>) target(%dma_start3A_29 : memref<64x144xf32, #tpu.memory_space<vmem>>) offsets(%dma_start3A_32 : memref<64xi32, #tpu.memory_space<vmem>>) semaphore(%arg11 : memref<!tpu.dma_semaphore, #tpu.memory_space<semaphore_mem>>)
      %dma_start3A_36 = arith.constant 1 : i32
      %dma_start3A_37 = arith.constant 1 : i32
      %dma_start3A_38 = arith.constant 0 : i32
      %dma_start3A_39 = arith.constant 0 : i32
      %dma_start3A_40 = tpu.memref_slice %arg9[%dma_start3A_37, %dma_start3A_38, %dma_start3A_39] : memref<2x64x144xf32, #tpu.memory_space<vmem>> -> memref<1x64x144xf32, #tpu.memory_space<vmem>>
      %dma_start3A_41 = tpu.memref_squeeze %dma_start3A_40 : memref<1x64x144xf32, #tpu.memory_space<vmem>> -> memref<64x144xf32, #tpu.memory_space<vmem>>
      %dma_start3A_42 = arith.constant 0 : i32
      %dma_start3A_43 = tpu.memref_slice %arg7[%dma_start3A_36, %dma_start3A_42] : memref<32x64xi32, #tpu.memory_space<vmem>> -> memref<1x64xi32, #tpu.memory_space<vmem>>
      %dma_start3A_44 = tpu.memref_squeeze %dma_start3A_43 : memref<1x64xi32, #tpu.memory_space<vmem>> -> memref<64xi32, #tpu.memory_space<vmem>>
      %dma_start3A_45 = arith.constant 0 : i32
      %dma_start3A_46 = arith.constant 0 : i32
      %dma_start3A_47 = tpu.memref_slice %arg2[%dma_start3A_45, %dma_start3A_46] : memref<10240x144xf32, #tpu.memory_space<hbm>> -> memref<10240x144xf32, #tpu.memory_space<hbm>>
      tpu.enqueue_indirect_dma source(%dma_start3A_47 : memref<10240x144xf32, #tpu.memory_space<hbm>>) target(%dma_start3A_41 : memref<64x144xf32, #tpu.memory_space<vmem>>) offsets(%dma_start3A_44 : memref<64xi32, #tpu.memory_space<vmem>>) semaphore(%arg12 : memref<!tpu.dma_semaphore, #tpu.memory_space<semaphore_mem>>)
      %scan3A_48 = arith.constant 0 : i32
      %scan3A_49 = arith.constant 16 : i32
      %scan3A_50 = arith.addi %scan3A_48, %scan3A_49 : i32
      %scan3A_51 = arith.constant 1 : i32
      scf.for %scan3A_53 = %scan3A_48 to %scan3A_50 step %scan3A_51  : i32 {
        %mul3A_54 = arith.constant 2 : i32
        %mul3A_55 = arith.muli %scan3A_53, %mul3A_54 : i32
        %add3A_56 = arith.constant 0 : i32
        %add3A_57 = arith.addi %add3A_56, %mul3A_55 : i32
        %add3A_58 = arith.constant 0 : i32
        %add3A_59 = arith.addi %add3A_57, %add3A_58 : i32
        %dma_wait3A = arith.constant 0 : i32
        %dma_wait3A_60 = arith.constant 0 : i32
        %dma_wait3A_61 = arith.constant 0 : i32
        %dma_wait3A_62 = tpu.memref_slice %arg9[%dma_wait3A, %dma_wait3A_60, %dma_wait3A_61] : memref<2x64x144xf32, #tpu.memory_space<vmem>> -> memref<1x64x144xf32, #tpu.memory_space<vmem>>
        %dma_wait3A_63 = tpu.memref_squeeze %dma_wait3A_62 : memref<1x64x144xf32, #tpu.memory_space<vmem>> -> memref<64x144xf32, #tpu.memory_space<vmem>>
        %dma_wait3A_64 = arith.constant 0 : i32
        %dma_wait3A_65 = tpu.memref_slice %arg7[%add3A_59, %dma_wait3A_64] : memref<32x64xi32, #tpu.memory_space<vmem>> -> memref<1x64xi32, #tpu.memory_space<vmem>>
        %dma_wait3A_66 = tpu.memref_squeeze %dma_wait3A_65 : memref<1x64xi32, #tpu.memory_space<vmem>> -> memref<64xi32, #tpu.memory_space<vmem>>
        %dma_wait3A_67 = arith.constant 0 : i32
        %dma_wait3A_68 = arith.constant 0 : i32
        %dma_wait3A_69 = tpu.memref_slice %arg2[%dma_wait3A_67, %dma_wait3A_68] : memref<10240x144xf32, #tpu.memory_space<hbm>> -> memref<10240x144xf32, #tpu.memory_space<hbm>>
        tpu.wait_indirect_dma semaphore(%arg11 : memref<!tpu.dma_semaphore, #tpu.memory_space<semaphore_mem>>) src(%dma_wait3A_69 : memref<10240x144xf32, #tpu.memory_space<hbm>>) dst(%dma_wait3A_63 : memref<64x144xf32, #tpu.memory_space<vmem>>)
        %run_scoped3A = arith.constant 0 : i32
        "tpu.region"() ({
          %run_scoped3A_95 = tpu.sem_alloc : memref<!tpu.dma_semaphore, #tpu.memory_space<semaphore_mem>>
          %dma_start3A_96 = arith.constant 0 : i32
          %dma_start3A_97 = arith.constant 0 : i32
          %dma_start3A_98 = tpu.memref_slice %arg9[%run_scoped3A, %dma_start3A_96, %dma_start3A_97] : memref<2x64x144xf32, #tpu.memory_space<vmem>> -> memref<1x64x144xf32, #tpu.memory_space<vmem>>
          %dma_start3A_99 = tpu.memref_squeeze %dma_start3A_98 : memref<1x64x144xf32, #tpu.memory_space<vmem>> -> memref<64x144xf32, #tpu.memory_space<vmem>>
          %dma_start3A_100 = arith.constant 0 : i32
          %dma_start3A_101 = tpu.memref_slice %arg8[%add3A_59, %dma_start3A_100] : memref<32x64xi32, #tpu.memory_space<vmem>> -> memref<1x64xi32, #tpu.memory_space<vmem>>
          %dma_start3A_102 = tpu.memref_squeeze %dma_start3A_101 : memref<1x64xi32, #tpu.memory_space<vmem>> -> memref<64xi32, #tpu.memory_space<vmem>>
          %dma_start3A_103 = arith.constant 0 : i32
          %dma_start3A_104 = arith.constant 0 : i32
          %dma_start3A_105 = tpu.memref_slice %arg10[%dma_start3A_103, %dma_start3A_104] : memref<10240x144xf32, #tpu.memory_space<vmem_shared>> -> memref<10240x144xf32, #tpu.memory_space<vmem_shared>>
          tpu.enqueue_indirect_dma source(%dma_start3A_99 : memref<64x144xf32, #tpu.memory_space<vmem>>) target(%dma_start3A_105 : memref<10240x144xf32, #tpu.memory_space<vmem_shared>>) offsets(%dma_start3A_102 : memref<64xi32, #tpu.memory_space<vmem>>) semaphore(%run_scoped3A_95 : memref<!tpu.dma_semaphore, #tpu.memory_space<semaphore_mem>>) {add = true}
          %dma_wait3A_106 = arith.constant 0 : i32
          %dma_wait3A_107 = arith.constant 0 : i32
          %dma_wait3A_108 = tpu.memref_slice %arg9[%run_scoped3A, %dma_wait3A_106, %dma_wait3A_107] : memref<2x64x144xf32, #tpu.memory_space<vmem>> -> memref<1x64x144xf32, #tpu.memory_space<vmem>>
          %dma_wait3A_109 = tpu.memref_squeeze %dma_wait3A_108 : memref<1x64x144xf32, #tpu.memory_space<vmem>> -> memref<64x144xf32, #tpu.memory_space<vmem>>
          %dma_wait3A_110 = arith.constant 0 : i32
          %dma_wait3A_111 = tpu.memref_slice %arg8[%add3A_59, %dma_wait3A_110] : memref<32x64xi32, #tpu.memory_space<vmem>> -> memref<1x64xi32, #tpu.memory_space<vmem>>
          %dma_wait3A_112 = tpu.memref_squeeze %dma_wait3A_111 : memref<1x64xi32, #tpu.memory_space<vmem>> -> memref<64xi32, #tpu.memory_space<vmem>>
          %dma_wait3A_113 = arith.constant 0 : i32
          %dma_wait3A_114 = arith.constant 0 : i32
          %dma_wait3A_115 = tpu.memref_slice %arg10[%dma_wait3A_113, %dma_wait3A_114] : memref<10240x144xf32, #tpu.memory_space<vmem_shared>> -> memref<10240x144xf32, #tpu.memory_space<vmem_shared>>
          tpu.wait_indirect_dma semaphore(%run_scoped3A_95 : memref<!tpu.dma_semaphore, #tpu.memory_space<semaphore_mem>>) src(%dma_wait3A_109 : memref<64x144xf32, #tpu.memory_space<vmem>>) dst(%dma_wait3A_115 : memref<10240x144xf32, #tpu.memory_space<vmem_shared>>)
          tpu.yield
        }) : () -> ()
        %add3A_70 = arith.constant 2 : i32
        %add3A_71 = arith.addi %add3A_59, %add3A_70 : i32
        %lt3A = arith.constant 32 : i32
        %lt3A_72 = arith.cmpi slt, %add3A_71, %lt3A : i32
        %convert_element_type3A = arith.extui %lt3A_72 : i1 to i32
        %cond3A = arith.constant 0 : i32
        %cond3A_73 = arith.cmpi ne, %convert_element_type3A, %cond3A : i32
        scf.if %cond3A_73 {
          %add3A_95 = arith.constant 2 : i32
          %add3A_96 = arith.addi %add3A_59, %add3A_95 : i32
          %dma_start3A_97 = arith.constant 0 : i32
          %dma_start3A_98 = arith.constant 0 : i32
          %dma_start3A_99 = arith.constant 0 : i32
          %dma_start3A_100 = tpu.memref_slice %arg9[%dma_start3A_97, %dma_start3A_98, %dma_start3A_99] : memref<2x64x144xf32, #tpu.memory_space<vmem>> -> memref<1x64x144xf32, #tpu.memory_space<vmem>>
          %dma_start3A_101 = tpu.memref_squeeze %dma_start3A_100 : memref<1x64x144xf32, #tpu.memory_space<vmem>> -> memref<64x144xf32, #tpu.memory_space<vmem>>
          %dma_start3A_102 = arith.constant 0 : i32
          %dma_start3A_103 = tpu.memref_slice %arg7[%add3A_96, %dma_start3A_102] : memref<32x64xi32, #tpu.memory_space<vmem>> -> memref<1x64xi32, #tpu.memory_space<vmem>>
          %dma_start3A_104 = tpu.memref_squeeze %dma_start3A_103 : memref<1x64xi32, #tpu.memory_space<vmem>> -> memref<64xi32, #tpu.memory_space<vmem>>
          %dma_start3A_105 = arith.constant 0 : i32
          %dma_start3A_106 = arith.constant 0 : i32
          %dma_start3A_107 = tpu.memref_slice %arg2[%dma_start3A_105, %dma_start3A_106] : memref<10240x144xf32, #tpu.memory_space<hbm>> -> memref<10240x144xf32, #tpu.memory_space<hbm>>
          tpu.enqueue_indirect_dma source(%dma_start3A_107 : memref<10240x144xf32, #tpu.memory_space<hbm>>) target(%dma_start3A_101 : memref<64x144xf32, #tpu.memory_space<vmem>>) offsets(%dma_start3A_104 : memref<64xi32, #tpu.memory_space<vmem>>) semaphore(%arg11 : memref<!tpu.dma_semaphore, #tpu.memory_space<semaphore_mem>>)
        } else {
        }
        %add3A_74 = arith.constant 1 : i32
        %add3A_75 = arith.addi %add3A_57, %add3A_74 : i32
        %dma_wait3A_76 = arith.constant 1 : i32
        %dma_wait3A_77 = arith.constant 0 : i32
        %dma_wait3A_78 = arith.constant 0 : i32
        %dma_wait3A_79 = tpu.memref_slice %arg9[%dma_wait3A_76, %dma_wait3A_77, %dma_wait3A_78] : memref<2x64x144xf32, #tpu.memory_space<vmem>> -> memref<1x64x144xf32, #tpu.memory_space<vmem>>
        %dma_wait3A_80 = tpu.memref_squeeze %dma_wait3A_79 : memref<1x64x144xf32, #tpu.memory_space<vmem>> -> memref<64x144xf32, #tpu.memory_space<vmem>>
        %dma_wait3A_81 = arith.constant 0 : i32
        %dma_wait3A_82 = tpu.memref_slice %arg7[%add3A_75, %dma_wait3A_81] : memref<32x64xi32, #tpu.memory_space<vmem>> -> memref<1x64xi32, #tpu.memory_space<vmem>>
        %dma_wait3A_83 = tpu.memref_squeeze %dma_wait3A_82 : memref<1x64xi32, #tpu.memory_space<vmem>> -> memref<64xi32, #tpu.memory_space<vmem>>
        %dma_wait3A_84 = arith.constant 0 : i32
        %dma_wait3A_85 = arith.constant 0 : i32
        %dma_wait3A_86 = tpu.memref_slice %arg2[%dma_wait3A_84, %dma_wait3A_85] : memref<10240x144xf32, #tpu.memory_space<hbm>> -> memref<10240x144xf32, #tpu.memory_space<hbm>>
        tpu.wait_indirect_dma semaphore(%arg12 : memref<!tpu.dma_semaphore, #tpu.memory_space<semaphore_mem>>) src(%dma_wait3A_86 : memref<10240x144xf32, #tpu.memory_space<hbm>>) dst(%dma_wait3A_80 : memref<64x144xf32, #tpu.memory_space<vmem>>)
        %run_scoped3A_87 = arith.constant 1 : i32
        "tpu.region"() ({
          %run_scoped3A_95 = tpu.sem_alloc : memref<!tpu.dma_semaphore, #tpu.memory_space<semaphore_mem>>
          %dma_start3A_96 = arith.constant 0 : i32
          %dma_start3A_97 = arith.constant 0 : i32
          %dma_start3A_98 = tpu.memref_slice %arg9[%run_scoped3A_87, %dma_start3A_96, %dma_start3A_97] : memref<2x64x144xf32, #tpu.memory_space<vmem>> -> memref<1x64x144xf32, #tpu.memory_space<vmem>>
          %dma_start3A_99 = tpu.memref_squeeze %dma_start3A_98 : memref<1x64x144xf32, #tpu.memory_space<vmem>> -> memref<64x144xf32, #tpu.memory_space<vmem>>
          %dma_start3A_100 = arith.constant 0 : i32
          %dma_start3A_101 = tpu.memref_slice %arg8[%add3A_75, %dma_start3A_100] : memref<32x64xi32, #tpu.memory_space<vmem>> -> memref<1x64xi32, #tpu.memory_space<vmem>>
          %dma_start3A_102 = tpu.memref_squeeze %dma_start3A_101 : memref<1x64xi32, #tpu.memory_space<vmem>> -> memref<64xi32, #tpu.memory_space<vmem>>
          %dma_start3A_103 = arith.constant 0 : i32
          %dma_start3A_104 = arith.constant 0 : i32
          %dma_start3A_105 = tpu.memref_slice %arg10[%dma_start3A_103, %dma_start3A_104] : memref<10240x144xf32, #tpu.memory_space<vmem_shared>> -> memref<10240x144xf32, #tpu.memory_space<vmem_shared>>
          tpu.enqueue_indirect_dma source(%dma_start3A_99 : memref<64x144xf32, #tpu.memory_space<vmem>>) target(%dma_start3A_105 : memref<10240x144xf32, #tpu.memory_space<vmem_shared>>) offsets(%dma_start3A_102 : memref<64xi32, #tpu.memory_space<vmem>>) semaphore(%run_scoped3A_95 : memref<!tpu.dma_semaphore, #tpu.memory_space<semaphore_mem>>) {add = true}
          %dma_wait3A_106 = arith.constant 0 : i32
          %dma_wait3A_107 = arith.constant 0 : i32
          %dma_wait3A_108 = tpu.memref_slice %arg9[%run_scoped3A_87, %dma_wait3A_106, %dma_wait3A_107] : memref<2x64x144xf32, #tpu.memory_space<vmem>> -> memref<1x64x144xf32, #tpu.memory_space<vmem>>
          %dma_wait3A_109 = tpu.memref_squeeze %dma_wait3A_108 : memref<1x64x144xf32, #tpu.memory_space<vmem>> -> memref<64x144xf32, #tpu.memory_space<vmem>>
          %dma_wait3A_110 = arith.constant 0 : i32
          %dma_wait3A_111 = tpu.memref_slice %arg8[%add3A_75, %dma_wait3A_110] : memref<32x64xi32, #tpu.memory_space<vmem>> -> memref<1x64xi32, #tpu.memory_space<vmem>>
          %dma_wait3A_112 = tpu.memref_squeeze %dma_wait3A_111 : memref<1x64xi32, #tpu.memory_space<vmem>> -> memref<64xi32, #tpu.memory_space<vmem>>
          %dma_wait3A_113 = arith.constant 0 : i32
          %dma_wait3A_114 = arith.constant 0 : i32
          %dma_wait3A_115 = tpu.memref_slice %arg10[%dma_wait3A_113, %dma_wait3A_114] : memref<10240x144xf32, #tpu.memory_space<vmem_shared>> -> memref<10240x144xf32, #tpu.memory_space<vmem_shared>>
          tpu.wait_indirect_dma semaphore(%run_scoped3A_95 : memref<!tpu.dma_semaphore, #tpu.memory_space<semaphore_mem>>) src(%dma_wait3A_109 : memref<64x144xf32, #tpu.memory_space<vmem>>) dst(%dma_wait3A_115 : memref<10240x144xf32, #tpu.memory_space<vmem_shared>>)
          tpu.yield
        }) : () -> ()
        %add3A_88 = arith.constant 2 : i32
        %add3A_89 = arith.addi %add3A_75, %add3A_88 : i32
        %lt3A_90 = arith.constant 32 : i32
        %lt3A_91 = arith.cmpi slt, %add3A_89, %lt3A_90 : i32
        %convert_element_type3A_92 = arith.extui %lt3A_91 : i1 to i32
        %cond3A_93 = arith.constant 0 : i32
        %cond3A_94 = arith.cmpi ne, %convert_element_type3A_92, %cond3A_93 : i32
        scf.if %cond3A_94 {
          %add3A_95 = arith.constant 2 : i32
          %add3A_96 = arith.addi %add3A_75, %add3A_95 : i32
          %dma_start3A_97 = arith.constant 1 : i32
          %dma_start3A_98 = arith.constant 0 : i32
          %dma_start3A_99 = arith.constant 0 : i32
          %dma_start3A_100 = tpu.memref_slice %arg9[%dma_start3A_97, %dma_start3A_98, %dma_start3A_99] : memref<2x64x144xf32, #tpu.memory_space<vmem>> -> memref<1x64x144xf32, #tpu.memory_space<vmem>>
          %dma_start3A_101 = tpu.memref_squeeze %dma_start3A_100 : memref<1x64x144xf32, #tpu.memory_space<vmem>> -> memref<64x144xf32, #tpu.memory_space<vmem>>
          %dma_start3A_102 = arith.constant 0 : i32
          %dma_start3A_103 = tpu.memref_slice %arg7[%add3A_96, %dma_start3A_102] : memref<32x64xi32, #tpu.memory_space<vmem>> -> memref<1x64xi32, #tpu.memory_space<vmem>>
          %dma_start3A_104 = tpu.memref_squeeze %dma_start3A_103 : memref<1x64xi32, #tpu.memory_space<vmem>> -> memref<64xi32, #tpu.memory_space<vmem>>
          %dma_start3A_105 = arith.constant 0 : i32
          %dma_start3A_106 = arith.constant 0 : i32
          %dma_start3A_107 = tpu.memref_slice %arg2[%dma_start3A_105, %dma_start3A_106] : memref<10240x144xf32, #tpu.memory_space<hbm>> -> memref<10240x144xf32, #tpu.memory_space<hbm>>
          tpu.enqueue_indirect_dma source(%dma_start3A_107 : memref<10240x144xf32, #tpu.memory_space<hbm>>) target(%dma_start3A_101 : memref<64x144xf32, #tpu.memory_space<vmem>>) offsets(%dma_start3A_104 : memref<64xi32, #tpu.memory_space<vmem>>) semaphore(%arg12 : memref<!tpu.dma_semaphore, #tpu.memory_space<semaphore_mem>>)
        } else {
        }
      }
      %scan3A_52 = arith.constant 16 : i32
    }
    %scan3A_6 = arith.constant 5 : i32
    %barrier3A_7 = arith.constant 0 : index
    tpu.barrier barrier_id(%barrier3A_7)
    %mul3A_8 = arith.constant 640 : i32
    %mul3A_9 = arith.muli %arg1, %mul3A_8 : i32
    %mul3A_10 = arith.constant 10240 : i32
    %mul3A_11 = arith.muli %arg0, %mul3A_10 : i32
    %mul3A_12 = arith.constant 640 : i32
    %mul3A_13 = arith.muli %arg1, %mul3A_12 : i32
    %add3A_14 = arith.addi %mul3A_11, %mul3A_13 : i32
    "tpu.region"() ({
      %run_scoped3A = tpu.sem_alloc : memref<!tpu.dma_semaphore, #tpu.memory_space<semaphore_mem>>
      %dma_start3A = arith.constant 0 : i32
      %dma_start3A_15 = tpu.memref_slice %arg6[%add3A_14, %dma_start3A] : memref<20480x144xf32, #tpu.memory_space<hbm>> -> memref<640x144xf32, #tpu.memory_space<hbm>>
      %dma_start3A_16 = arith.constant 0 : i32
      %dma_start3A_17 = tpu.memref_slice %arg10[%mul3A_9, %dma_start3A_16] : memref<10240x144xf32, #tpu.memory_space<vmem_shared>> -> memref<640x144xf32, #tpu.memory_space<vmem_shared>>
      tpu.enqueue_dma source(%dma_start3A_17 : memref<640x144xf32, #tpu.memory_space<vmem_shared>>) target(%dma_start3A_15 : memref<640x144xf32, #tpu.memory_space<hbm>>) target_semaphore(%run_scoped3A : memref<!tpu.dma_semaphore, #tpu.memory_space<semaphore_mem>>)
      %dma_wait3A = arith.constant 0 : i32
      %dma_wait3A_18 = tpu.memref_slice %arg6[%add3A_14, %dma_wait3A] : memref<20480x144xf32, #tpu.memory_space<hbm>> -> memref<640x144xf32, #tpu.memory_space<hbm>>
      %dma_wait3A_19 = arith.constant 0 : i32
      %dma_wait3A_20 = tpu.memref_slice %arg10[%mul3A_9, %dma_wait3A_19] : memref<10240x144xf32, #tpu.memory_space<vmem_shared>> -> memref<640x144xf32, #tpu.memory_space<vmem_shared>>
      tpu.wait_dma2 semaphore(%run_scoped3A : memref<!tpu.dma_semaphore, #tpu.memory_space<semaphore_mem>>) src(%dma_wait3A_20 : memref<640x144xf32, #tpu.memory_space<vmem_shared>>) dst(%dma_wait3A_18 : memref<640x144xf32, #tpu.memory_space<hbm>>)
      tpu.yield
    }) : () -> ()
    return
  }
}

#map = affine_map<(d0, d1) -> (0, 0)>
module attributes {stable_mosaic.version = 14 : i64} {
  func.func @agg(%arg0: i32, %arg1: i32, %arg2: memref<10240x128xf32, #tpu.memory_space<hbm>>, %arg3: memref<5120x64xi32, #tpu.memory_space<hbm>>, %arg4: memref<5120x64xi32, #tpu.memory_space<hbm>>, %arg5: memref<640x128xf32, #tpu.memory_space<hbm>>, %arg6: memref<20480x128xf32, #tpu.memory_space<hbm>>, %arg7: memref<32x64xi32, #tpu.memory_space<vmem>>, %arg8: memref<32x64xi32, #tpu.memory_space<vmem>>, %arg9: memref<2x64x128xf32, #tpu.memory_space<vmem>>, %arg10: memref<10240x128xf32, #tpu.memory_space<vmem_shared>>, %arg11: memref<!tpu.dma_semaphore, #tpu.memory_space<semaphore_mem>>, %arg12: memref<!tpu.dma_semaphore, #tpu.memory_space<semaphore_mem>>) attributes {dimension_semantics = [#tpu.dimension_semantics<core_parallel>, #tpu.dimension_semantics<subcore_parallel>], iteration_bounds = array<i64: 2, 16>, scalar_prefetch = 0 : i64, scratch_operands = 6 : i64, tpu.core_type = #tpu.core_type<sc_vector_subcore>, window_params = [{transform_indices = #map}, {transform_indices = #map}, {transform_indices = #map}, {transform_indices = #map}, {transform_indices = #map}]} {
    %mul3A = arith.constant 2 : i32
    %mul3A_0 = arith.muli %arg1, %mul3A : i32
    %add3A = arith.addi %mul3A_0, %arg0 : i32
    %mul3A_1 = arith.constant 640 : i32
    %mul3A_2 = arith.muli %arg1, %mul3A_1 : i32
    "tpu.region"() ({
      %run_scoped3A = tpu.sem_alloc : memref<!tpu.dma_semaphore, #tpu.memory_space<semaphore_mem>>
      %dma_start3A = arith.constant 0 : i32
      %dma_start3A_15 = tpu.memref_slice %arg10[%mul3A_2, %dma_start3A] : memref<10240x128xf32, #tpu.memory_space<vmem_shared>> -> memref<640x128xf32, #tpu.memory_space<vmem_shared>>
      tpu.enqueue_dma source(%arg5 : memref<640x128xf32, #tpu.memory_space<hbm>>) target(%dma_start3A_15 : memref<640x128xf32, #tpu.memory_space<vmem_shared>>) target_semaphore(%run_scoped3A : memref<!tpu.dma_semaphore, #tpu.memory_space<semaphore_mem>>)
      %dma_wait3A = arith.constant 0 : i32
      %dma_wait3A_16 = tpu.memref_slice %arg10[%mul3A_2, %dma_wait3A] : memref<10240x128xf32, #tpu.memory_space<vmem_shared>> -> memref<640x128xf32, #tpu.memory_space<vmem_shared>>
      tpu.wait_dma2 semaphore(%run_scoped3A : memref<!tpu.dma_semaphore, #tpu.memory_space<semaphore_mem>>) src(%arg5 : memref<640x128xf32, #tpu.memory_space<hbm>>) dst(%dma_wait3A_16 : memref<640x128xf32, #tpu.memory_space<vmem_shared>>)
      tpu.yield
    }) : () -> ()
    %barrier3A = arith.constant 0 : index
    tpu.barrier barrier_id(%barrier3A)
    %scan3A = arith.constant 0 : i32
    %scan3A_3 = arith.constant 5 : i32
    %scan3A_4 = arith.addi %scan3A, %scan3A_3 : i32
    %scan3A_5 = arith.constant 1 : i32
    scf.for %scan3A_15 = %scan3A to %scan3A_4 step %scan3A_5  : i32 {
      %mul3A_16 = arith.constant 1 : i32
      %mul3A_17 = arith.muli %scan3A_15, %mul3A_16 : i32
      %add3A_18 = arith.constant 0 : i32
      %add3A_19 = arith.addi %add3A_18, %mul3A_17 : i32
      %mul3A_20 = arith.constant 160 : i32
      %mul3A_21 = arith.muli %add3A, %mul3A_20 : i32
      %mul3A_22 = arith.constant 32 : i32
      %mul3A_23 = arith.muli %add3A_19, %mul3A_22 : i32
      %add3A_24 = arith.addi %mul3A_21, %mul3A_23 : i32
      "tpu.region"() ({
        %run_scoped3A = tpu.sem_alloc : memref<!tpu.dma_semaphore, #tpu.memory_space<semaphore_mem>>
        %dma_start3A_53 = arith.constant 0 : i32
        %dma_start3A_54 = tpu.memref_slice %arg3[%add3A_24, %dma_start3A_53] : memref<5120x64xi32, #tpu.memory_space<hbm>> -> memref<32x64xi32, #tpu.memory_space<hbm>>
        %dma_start3A_55 = arith.constant 0 : i32
        %dma_start3A_56 = tpu.memref_slice %arg3[%add3A_24, %dma_start3A_55] : memref<5120x64xi32, #tpu.memory_space<hbm>> -> memref<32x64xi32, #tpu.memory_space<hbm>>
        tpu.enqueue_dma source(%dma_start3A_56 : memref<32x64xi32, #tpu.memory_space<hbm>>) target(%arg7 : memref<32x64xi32, #tpu.memory_space<vmem>>) target_semaphore(%run_scoped3A : memref<!tpu.dma_semaphore, #tpu.memory_space<semaphore_mem>>)
        %dma_wait3A = arith.constant 0 : i32
        %dma_wait3A_57 = tpu.memref_slice %arg3[%add3A_24, %dma_wait3A] : memref<5120x64xi32, #tpu.memory_space<hbm>> -> memref<32x64xi32, #tpu.memory_space<hbm>>
        %dma_wait3A_58 = arith.constant 0 : i32
        %dma_wait3A_59 = tpu.memref_slice %arg3[%add3A_24, %dma_wait3A_58] : memref<5120x64xi32, #tpu.memory_space<hbm>> -> memref<32x64xi32, #tpu.memory_space<hbm>>
        tpu.wait_dma2 semaphore(%run_scoped3A : memref<!tpu.dma_semaphore, #tpu.memory_space<semaphore_mem>>) src(%dma_wait3A_59 : memref<32x64xi32, #tpu.memory_space<hbm>>) dst(%arg7 : memref<32x64xi32, #tpu.memory_space<vmem>>)
        tpu.yield
      }) : () -> ()
      "tpu.region"() ({
        %run_scoped3A = tpu.sem_alloc : memref<!tpu.dma_semaphore, #tpu.memory_space<semaphore_mem>>
        %dma_start3A_53 = arith.constant 0 : i32
        %dma_start3A_54 = tpu.memref_slice %arg4[%add3A_24, %dma_start3A_53] : memref<5120x64xi32, #tpu.memory_space<hbm>> -> memref<32x64xi32, #tpu.memory_space<hbm>>
        %dma_start3A_55 = arith.constant 0 : i32
        %dma_start3A_56 = tpu.memref_slice %arg4[%add3A_24, %dma_start3A_55] : memref<5120x64xi32, #tpu.memory_space<hbm>> -> memref<32x64xi32, #tpu.memory_space<hbm>>
        tpu.enqueue_dma source(%dma_start3A_56 : memref<32x64xi32, #tpu.memory_space<hbm>>) target(%arg8 : memref<32x64xi32, #tpu.memory_space<vmem>>) target_semaphore(%run_scoped3A : memref<!tpu.dma_semaphore, #tpu.memory_space<semaphore_mem>>)
        %dma_wait3A = arith.constant 0 : i32
        %dma_wait3A_57 = tpu.memref_slice %arg4[%add3A_24, %dma_wait3A] : memref<5120x64xi32, #tpu.memory_space<hbm>> -> memref<32x64xi32, #tpu.memory_space<hbm>>
        %dma_wait3A_58 = arith.constant 0 : i32
        %dma_wait3A_59 = tpu.memref_slice %arg4[%add3A_24, %dma_wait3A_58] : memref<5120x64xi32, #tpu.memory_space<hbm>> -> memref<32x64xi32, #tpu.memory_space<hbm>>
        tpu.wait_dma2 semaphore(%run_scoped3A : memref<!tpu.dma_semaphore, #tpu.memory_space<semaphore_mem>>) src(%dma_wait3A_59 : memref<32x64xi32, #tpu.memory_space<hbm>>) dst(%arg8 : memref<32x64xi32, #tpu.memory_space<vmem>>)
        tpu.yield
      }) : () -> ()
      %dma_start3A = arith.constant 0 : i32
      %dma_start3A_25 = arith.constant 0 : i32
      %dma_start3A_26 = arith.constant 0 : i32
      %dma_start3A_27 = arith.constant 0 : i32
      %dma_start3A_28 = tpu.memref_slice %arg9[%dma_start3A_25, %dma_start3A_26, %dma_start3A_27] : memref<2x64x128xf32, #tpu.memory_space<vmem>> -> memref<1x64x128xf32, #tpu.memory_space<vmem>>
      %dma_start3A_29 = tpu.memref_squeeze %dma_start3A_28 : memref<1x64x128xf32, #tpu.memory_space<vmem>> -> memref<64x128xf32, #tpu.memory_space<vmem>>
      %dma_start3A_30 = arith.constant 0 : i32
      %dma_start3A_31 = tpu.memref_slice %arg7[%dma_start3A, %dma_start3A_30] : memref<32x64xi32, #tpu.memory_space<vmem>> -> memref<1x64xi32, #tpu.memory_space<vmem>>
      %dma_start3A_32 = tpu.memref_squeeze %dma_start3A_31 : memref<1x64xi32, #tpu.memory_space<vmem>> -> memref<64xi32, #tpu.memory_space<vmem>>
      %dma_start3A_33 = arith.constant 0 : i32
      %dma_start3A_34 = arith.constant 0 : i32
      %dma_start3A_35 = tpu.memref_slice %arg2[%dma_start3A_33, %dma_start3A_34] : memref<10240x128xf32, #tpu.memory_space<hbm>> -> memref<10240x128xf32, #tpu.memory_space<hbm>>
      tpu.enqueue_indirect_dma source(%dma_start3A_35 : memref<10240x128xf32, #tpu.memory_space<hbm>>) target(%dma_start3A_29 : memref<64x128xf32, #tpu.memory_space<vmem>>) offsets(%dma_start3A_32 : memref<64xi32, #tpu.memory_space<vmem>>) semaphore(%arg11 : memref<!tpu.dma_semaphore, #tpu.memory_space<semaphore_mem>>)
      %dma_start3A_36 = arith.constant 1 : i32
      %dma_start3A_37 = arith.constant 1 : i32
      %dma_start3A_38 = arith.constant 0 : i32
      %dma_start3A_39 = arith.constant 0 : i32
      %dma_start3A_40 = tpu.memref_slice %arg9[%dma_start3A_37, %dma_start3A_38, %dma_start3A_39] : memref<2x64x128xf32, #tpu.memory_space<vmem>> -> memref<1x64x128xf32, #tpu.memory_space<vmem>>
      %dma_start3A_41 = tpu.memref_squeeze %dma_start3A_40 : memref<1x64x128xf32, #tpu.memory_space<vmem>> -> memref<64x128xf32, #tpu.memory_space<vmem>>
      %dma_start3A_42 = arith.constant 0 : i32
      %dma_start3A_43 = tpu.memref_slice %arg7[%dma_start3A_36, %dma_start3A_42] : memref<32x64xi32, #tpu.memory_space<vmem>> -> memref<1x64xi32, #tpu.memory_space<vmem>>
      %dma_start3A_44 = tpu.memref_squeeze %dma_start3A_43 : memref<1x64xi32, #tpu.memory_space<vmem>> -> memref<64xi32, #tpu.memory_space<vmem>>
      %dma_start3A_45 = arith.constant 0 : i32
      %dma_start3A_46 = arith.constant 0 : i32
      %dma_start3A_47 = tpu.memref_slice %arg2[%dma_start3A_45, %dma_start3A_46] : memref<10240x128xf32, #tpu.memory_space<hbm>> -> memref<10240x128xf32, #tpu.memory_space<hbm>>
      tpu.enqueue_indirect_dma source(%dma_start3A_47 : memref<10240x128xf32, #tpu.memory_space<hbm>>) target(%dma_start3A_41 : memref<64x128xf32, #tpu.memory_space<vmem>>) offsets(%dma_start3A_44 : memref<64xi32, #tpu.memory_space<vmem>>) semaphore(%arg12 : memref<!tpu.dma_semaphore, #tpu.memory_space<semaphore_mem>>)
      %scan3A_48 = arith.constant 0 : i32
      %scan3A_49 = arith.constant 16 : i32
      %scan3A_50 = arith.addi %scan3A_48, %scan3A_49 : i32
      %scan3A_51 = arith.constant 1 : i32
      scf.for %scan3A_53 = %scan3A_48 to %scan3A_50 step %scan3A_51  : i32 {
        %mul3A_54 = arith.constant 2 : i32
        %mul3A_55 = arith.muli %scan3A_53, %mul3A_54 : i32
        %add3A_56 = arith.constant 0 : i32
        %add3A_57 = arith.addi %add3A_56, %mul3A_55 : i32
        %add3A_58 = arith.constant 0 : i32
        %add3A_59 = arith.addi %add3A_57, %add3A_58 : i32
        %dma_wait3A = arith.constant 0 : i32
        %dma_wait3A_60 = arith.constant 0 : i32
        %dma_wait3A_61 = arith.constant 0 : i32
        %dma_wait3A_62 = tpu.memref_slice %arg9[%dma_wait3A, %dma_wait3A_60, %dma_wait3A_61] : memref<2x64x128xf32, #tpu.memory_space<vmem>> -> memref<1x64x128xf32, #tpu.memory_space<vmem>>
        %dma_wait3A_63 = tpu.memref_squeeze %dma_wait3A_62 : memref<1x64x128xf32, #tpu.memory_space<vmem>> -> memref<64x128xf32, #tpu.memory_space<vmem>>
        %dma_wait3A_64 = arith.constant 0 : i32
        %dma_wait3A_65 = tpu.memref_slice %arg7[%add3A_59, %dma_wait3A_64] : memref<32x64xi32, #tpu.memory_space<vmem>> -> memref<1x64xi32, #tpu.memory_space<vmem>>
        %dma_wait3A_66 = tpu.memref_squeeze %dma_wait3A_65 : memref<1x64xi32, #tpu.memory_space<vmem>> -> memref<64xi32, #tpu.memory_space<vmem>>
        %dma_wait3A_67 = arith.constant 0 : i32
        %dma_wait3A_68 = arith.constant 0 : i32
        %dma_wait3A_69 = tpu.memref_slice %arg2[%dma_wait3A_67, %dma_wait3A_68] : memref<10240x128xf32, #tpu.memory_space<hbm>> -> memref<10240x128xf32, #tpu.memory_space<hbm>>
        tpu.wait_indirect_dma semaphore(%arg11 : memref<!tpu.dma_semaphore, #tpu.memory_space<semaphore_mem>>) src(%dma_wait3A_69 : memref<10240x128xf32, #tpu.memory_space<hbm>>) dst(%dma_wait3A_63 : memref<64x128xf32, #tpu.memory_space<vmem>>)
        %run_scoped3A = arith.constant 0 : i32
        "tpu.region"() ({
          %run_scoped3A_95 = tpu.sem_alloc : memref<!tpu.dma_semaphore, #tpu.memory_space<semaphore_mem>>
          %dma_start3A_96 = arith.constant 0 : i32
          %dma_start3A_97 = arith.constant 0 : i32
          %dma_start3A_98 = tpu.memref_slice %arg9[%run_scoped3A, %dma_start3A_96, %dma_start3A_97] : memref<2x64x128xf32, #tpu.memory_space<vmem>> -> memref<1x64x128xf32, #tpu.memory_space<vmem>>
          %dma_start3A_99 = tpu.memref_squeeze %dma_start3A_98 : memref<1x64x128xf32, #tpu.memory_space<vmem>> -> memref<64x128xf32, #tpu.memory_space<vmem>>
          %dma_start3A_100 = arith.constant 0 : i32
          %dma_start3A_101 = tpu.memref_slice %arg8[%add3A_59, %dma_start3A_100] : memref<32x64xi32, #tpu.memory_space<vmem>> -> memref<1x64xi32, #tpu.memory_space<vmem>>
          %dma_start3A_102 = tpu.memref_squeeze %dma_start3A_101 : memref<1x64xi32, #tpu.memory_space<vmem>> -> memref<64xi32, #tpu.memory_space<vmem>>
          %dma_start3A_103 = arith.constant 0 : i32
          %dma_start3A_104 = arith.constant 0 : i32
          %dma_start3A_105 = tpu.memref_slice %arg10[%dma_start3A_103, %dma_start3A_104] : memref<10240x128xf32, #tpu.memory_space<vmem_shared>> -> memref<10240x128xf32, #tpu.memory_space<vmem_shared>>
          tpu.enqueue_indirect_dma source(%dma_start3A_99 : memref<64x128xf32, #tpu.memory_space<vmem>>) target(%dma_start3A_105 : memref<10240x128xf32, #tpu.memory_space<vmem_shared>>) offsets(%dma_start3A_102 : memref<64xi32, #tpu.memory_space<vmem>>) semaphore(%run_scoped3A_95 : memref<!tpu.dma_semaphore, #tpu.memory_space<semaphore_mem>>) {add = true}
          %dma_wait3A_106 = arith.constant 0 : i32
          %dma_wait3A_107 = arith.constant 0 : i32
          %dma_wait3A_108 = tpu.memref_slice %arg9[%run_scoped3A, %dma_wait3A_106, %dma_wait3A_107] : memref<2x64x128xf32, #tpu.memory_space<vmem>> -> memref<1x64x128xf32, #tpu.memory_space<vmem>>
          %dma_wait3A_109 = tpu.memref_squeeze %dma_wait3A_108 : memref<1x64x128xf32, #tpu.memory_space<vmem>> -> memref<64x128xf32, #tpu.memory_space<vmem>>
          %dma_wait3A_110 = arith.constant 0 : i32
          %dma_wait3A_111 = tpu.memref_slice %arg8[%add3A_59, %dma_wait3A_110] : memref<32x64xi32, #tpu.memory_space<vmem>> -> memref<1x64xi32, #tpu.memory_space<vmem>>
          %dma_wait3A_112 = tpu.memref_squeeze %dma_wait3A_111 : memref<1x64xi32, #tpu.memory_space<vmem>> -> memref<64xi32, #tpu.memory_space<vmem>>
          %dma_wait3A_113 = arith.constant 0 : i32
          %dma_wait3A_114 = arith.constant 0 : i32
          %dma_wait3A_115 = tpu.memref_slice %arg10[%dma_wait3A_113, %dma_wait3A_114] : memref<10240x128xf32, #tpu.memory_space<vmem_shared>> -> memref<10240x128xf32, #tpu.memory_space<vmem_shared>>
          tpu.wait_indirect_dma semaphore(%run_scoped3A_95 : memref<!tpu.dma_semaphore, #tpu.memory_space<semaphore_mem>>) src(%dma_wait3A_109 : memref<64x128xf32, #tpu.memory_space<vmem>>) dst(%dma_wait3A_115 : memref<10240x128xf32, #tpu.memory_space<vmem_shared>>)
          tpu.yield
        }) : () -> ()
        %add3A_70 = arith.constant 2 : i32
        %add3A_71 = arith.addi %add3A_59, %add3A_70 : i32
        %lt3A = arith.constant 32 : i32
        %lt3A_72 = arith.cmpi slt, %add3A_71, %lt3A : i32
        %convert_element_type3A = arith.extui %lt3A_72 : i1 to i32
        %cond3A = arith.constant 0 : i32
        %cond3A_73 = arith.cmpi ne, %convert_element_type3A, %cond3A : i32
        scf.if %cond3A_73 {
          %add3A_95 = arith.constant 2 : i32
          %add3A_96 = arith.addi %add3A_59, %add3A_95 : i32
          %dma_start3A_97 = arith.constant 0 : i32
          %dma_start3A_98 = arith.constant 0 : i32
          %dma_start3A_99 = arith.constant 0 : i32
          %dma_start3A_100 = tpu.memref_slice %arg9[%dma_start3A_97, %dma_start3A_98, %dma_start3A_99] : memref<2x64x128xf32, #tpu.memory_space<vmem>> -> memref<1x64x128xf32, #tpu.memory_space<vmem>>
          %dma_start3A_101 = tpu.memref_squeeze %dma_start3A_100 : memref<1x64x128xf32, #tpu.memory_space<vmem>> -> memref<64x128xf32, #tpu.memory_space<vmem>>
          %dma_start3A_102 = arith.constant 0 : i32
          %dma_start3A_103 = tpu.memref_slice %arg7[%add3A_96, %dma_start3A_102] : memref<32x64xi32, #tpu.memory_space<vmem>> -> memref<1x64xi32, #tpu.memory_space<vmem>>
          %dma_start3A_104 = tpu.memref_squeeze %dma_start3A_103 : memref<1x64xi32, #tpu.memory_space<vmem>> -> memref<64xi32, #tpu.memory_space<vmem>>
          %dma_start3A_105 = arith.constant 0 : i32
          %dma_start3A_106 = arith.constant 0 : i32
          %dma_start3A_107 = tpu.memref_slice %arg2[%dma_start3A_105, %dma_start3A_106] : memref<10240x128xf32, #tpu.memory_space<hbm>> -> memref<10240x128xf32, #tpu.memory_space<hbm>>
          tpu.enqueue_indirect_dma source(%dma_start3A_107 : memref<10240x128xf32, #tpu.memory_space<hbm>>) target(%dma_start3A_101 : memref<64x128xf32, #tpu.memory_space<vmem>>) offsets(%dma_start3A_104 : memref<64xi32, #tpu.memory_space<vmem>>) semaphore(%arg11 : memref<!tpu.dma_semaphore, #tpu.memory_space<semaphore_mem>>)
        } else {
        }
        %add3A_74 = arith.constant 1 : i32
        %add3A_75 = arith.addi %add3A_57, %add3A_74 : i32
        %dma_wait3A_76 = arith.constant 1 : i32
        %dma_wait3A_77 = arith.constant 0 : i32
        %dma_wait3A_78 = arith.constant 0 : i32
        %dma_wait3A_79 = tpu.memref_slice %arg9[%dma_wait3A_76, %dma_wait3A_77, %dma_wait3A_78] : memref<2x64x128xf32, #tpu.memory_space<vmem>> -> memref<1x64x128xf32, #tpu.memory_space<vmem>>
        %dma_wait3A_80 = tpu.memref_squeeze %dma_wait3A_79 : memref<1x64x128xf32, #tpu.memory_space<vmem>> -> memref<64x128xf32, #tpu.memory_space<vmem>>
        %dma_wait3A_81 = arith.constant 0 : i32
        %dma_wait3A_82 = tpu.memref_slice %arg7[%add3A_75, %dma_wait3A_81] : memref<32x64xi32, #tpu.memory_space<vmem>> -> memref<1x64xi32, #tpu.memory_space<vmem>>
        %dma_wait3A_83 = tpu.memref_squeeze %dma_wait3A_82 : memref<1x64xi32, #tpu.memory_space<vmem>> -> memref<64xi32, #tpu.memory_space<vmem>>
        %dma_wait3A_84 = arith.constant 0 : i32
        %dma_wait3A_85 = arith.constant 0 : i32
        %dma_wait3A_86 = tpu.memref_slice %arg2[%dma_wait3A_84, %dma_wait3A_85] : memref<10240x128xf32, #tpu.memory_space<hbm>> -> memref<10240x128xf32, #tpu.memory_space<hbm>>
        tpu.wait_indirect_dma semaphore(%arg12 : memref<!tpu.dma_semaphore, #tpu.memory_space<semaphore_mem>>) src(%dma_wait3A_86 : memref<10240x128xf32, #tpu.memory_space<hbm>>) dst(%dma_wait3A_80 : memref<64x128xf32, #tpu.memory_space<vmem>>)
        %run_scoped3A_87 = arith.constant 1 : i32
        "tpu.region"() ({
          %run_scoped3A_95 = tpu.sem_alloc : memref<!tpu.dma_semaphore, #tpu.memory_space<semaphore_mem>>
          %dma_start3A_96 = arith.constant 0 : i32
          %dma_start3A_97 = arith.constant 0 : i32
          %dma_start3A_98 = tpu.memref_slice %arg9[%run_scoped3A_87, %dma_start3A_96, %dma_start3A_97] : memref<2x64x128xf32, #tpu.memory_space<vmem>> -> memref<1x64x128xf32, #tpu.memory_space<vmem>>
          %dma_start3A_99 = tpu.memref_squeeze %dma_start3A_98 : memref<1x64x128xf32, #tpu.memory_space<vmem>> -> memref<64x128xf32, #tpu.memory_space<vmem>>
          %dma_start3A_100 = arith.constant 0 : i32
          %dma_start3A_101 = tpu.memref_slice %arg8[%add3A_75, %dma_start3A_100] : memref<32x64xi32, #tpu.memory_space<vmem>> -> memref<1x64xi32, #tpu.memory_space<vmem>>
          %dma_start3A_102 = tpu.memref_squeeze %dma_start3A_101 : memref<1x64xi32, #tpu.memory_space<vmem>> -> memref<64xi32, #tpu.memory_space<vmem>>
          %dma_start3A_103 = arith.constant 0 : i32
          %dma_start3A_104 = arith.constant 0 : i32
          %dma_start3A_105 = tpu.memref_slice %arg10[%dma_start3A_103, %dma_start3A_104] : memref<10240x128xf32, #tpu.memory_space<vmem_shared>> -> memref<10240x128xf32, #tpu.memory_space<vmem_shared>>
          tpu.enqueue_indirect_dma source(%dma_start3A_99 : memref<64x128xf32, #tpu.memory_space<vmem>>) target(%dma_start3A_105 : memref<10240x128xf32, #tpu.memory_space<vmem_shared>>) offsets(%dma_start3A_102 : memref<64xi32, #tpu.memory_space<vmem>>) semaphore(%run_scoped3A_95 : memref<!tpu.dma_semaphore, #tpu.memory_space<semaphore_mem>>) {add = true}
          %dma_wait3A_106 = arith.constant 0 : i32
          %dma_wait3A_107 = arith.constant 0 : i32
          %dma_wait3A_108 = tpu.memref_slice %arg9[%run_scoped3A_87, %dma_wait3A_106, %dma_wait3A_107] : memref<2x64x128xf32, #tpu.memory_space<vmem>> -> memref<1x64x128xf32, #tpu.memory_space<vmem>>
          %dma_wait3A_109 = tpu.memref_squeeze %dma_wait3A_108 : memref<1x64x128xf32, #tpu.memory_space<vmem>> -> memref<64x128xf32, #tpu.memory_space<vmem>>
          %dma_wait3A_110 = arith.constant 0 : i32
          %dma_wait3A_111 = tpu.memref_slice %arg8[%add3A_75, %dma_wait3A_110] : memref<32x64xi32, #tpu.memory_space<vmem>> -> memref<1x64xi32, #tpu.memory_space<vmem>>
          %dma_wait3A_112 = tpu.memref_squeeze %dma_wait3A_111 : memref<1x64xi32, #tpu.memory_space<vmem>> -> memref<64xi32, #tpu.memory_space<vmem>>
          %dma_wait3A_113 = arith.constant 0 : i32
          %dma_wait3A_114 = arith.constant 0 : i32
          %dma_wait3A_115 = tpu.memref_slice %arg10[%dma_wait3A_113, %dma_wait3A_114] : memref<10240x128xf32, #tpu.memory_space<vmem_shared>> -> memref<10240x128xf32, #tpu.memory_space<vmem_shared>>
          tpu.wait_indirect_dma semaphore(%run_scoped3A_95 : memref<!tpu.dma_semaphore, #tpu.memory_space<semaphore_mem>>) src(%dma_wait3A_109 : memref<64x128xf32, #tpu.memory_space<vmem>>) dst(%dma_wait3A_115 : memref<10240x128xf32, #tpu.memory_space<vmem_shared>>)
          tpu.yield
        }) : () -> ()
        %add3A_88 = arith.constant 2 : i32
        %add3A_89 = arith.addi %add3A_75, %add3A_88 : i32
        %lt3A_90 = arith.constant 32 : i32
        %lt3A_91 = arith.cmpi slt, %add3A_89, %lt3A_90 : i32
        %convert_element_type3A_92 = arith.extui %lt3A_91 : i1 to i32
        %cond3A_93 = arith.constant 0 : i32
        %cond3A_94 = arith.cmpi ne, %convert_element_type3A_92, %cond3A_93 : i32
        scf.if %cond3A_94 {
          %add3A_95 = arith.constant 2 : i32
          %add3A_96 = arith.addi %add3A_75, %add3A_95 : i32
          %dma_start3A_97 = arith.constant 1 : i32
          %dma_start3A_98 = arith.constant 0 : i32
          %dma_start3A_99 = arith.constant 0 : i32
          %dma_start3A_100 = tpu.memref_slice %arg9[%dma_start3A_97, %dma_start3A_98, %dma_start3A_99] : memref<2x64x128xf32, #tpu.memory_space<vmem>> -> memref<1x64x128xf32, #tpu.memory_space<vmem>>
          %dma_start3A_101 = tpu.memref_squeeze %dma_start3A_100 : memref<1x64x128xf32, #tpu.memory_space<vmem>> -> memref<64x128xf32, #tpu.memory_space<vmem>>
          %dma_start3A_102 = arith.constant 0 : i32
          %dma_start3A_103 = tpu.memref_slice %arg7[%add3A_96, %dma_start3A_102] : memref<32x64xi32, #tpu.memory_space<vmem>> -> memref<1x64xi32, #tpu.memory_space<vmem>>
          %dma_start3A_104 = tpu.memref_squeeze %dma_start3A_103 : memref<1x64xi32, #tpu.memory_space<vmem>> -> memref<64xi32, #tpu.memory_space<vmem>>
          %dma_start3A_105 = arith.constant 0 : i32
          %dma_start3A_106 = arith.constant 0 : i32
          %dma_start3A_107 = tpu.memref_slice %arg2[%dma_start3A_105, %dma_start3A_106] : memref<10240x128xf32, #tpu.memory_space<hbm>> -> memref<10240x128xf32, #tpu.memory_space<hbm>>
          tpu.enqueue_indirect_dma source(%dma_start3A_107 : memref<10240x128xf32, #tpu.memory_space<hbm>>) target(%dma_start3A_101 : memref<64x128xf32, #tpu.memory_space<vmem>>) offsets(%dma_start3A_104 : memref<64xi32, #tpu.memory_space<vmem>>) semaphore(%arg12 : memref<!tpu.dma_semaphore, #tpu.memory_space<semaphore_mem>>)
        } else {
        }
      }
      %scan3A_52 = arith.constant 16 : i32
    }
    %scan3A_6 = arith.constant 5 : i32
    %barrier3A_7 = arith.constant 0 : index
    tpu.barrier barrier_id(%barrier3A_7)
    %mul3A_8 = arith.constant 640 : i32
    %mul3A_9 = arith.muli %arg1, %mul3A_8 : i32
    %mul3A_10 = arith.constant 10240 : i32
    %mul3A_11 = arith.muli %arg0, %mul3A_10 : i32
    %mul3A_12 = arith.constant 640 : i32
    %mul3A_13 = arith.muli %arg1, %mul3A_12 : i32
    %add3A_14 = arith.addi %mul3A_11, %mul3A_13 : i32
    "tpu.region"() ({
      %run_scoped3A = tpu.sem_alloc : memref<!tpu.dma_semaphore, #tpu.memory_space<semaphore_mem>>
      %dma_start3A = arith.constant 0 : i32
      %dma_start3A_15 = tpu.memref_slice %arg6[%add3A_14, %dma_start3A] : memref<20480x128xf32, #tpu.memory_space<hbm>> -> memref<640x128xf32, #tpu.memory_space<hbm>>
      %dma_start3A_16 = arith.constant 0 : i32
      %dma_start3A_17 = tpu.memref_slice %arg10[%mul3A_9, %dma_start3A_16] : memref<10240x128xf32, #tpu.memory_space<vmem_shared>> -> memref<640x128xf32, #tpu.memory_space<vmem_shared>>
      tpu.enqueue_dma source(%dma_start3A_17 : memref<640x128xf32, #tpu.memory_space<vmem_shared>>) target(%dma_start3A_15 : memref<640x128xf32, #tpu.memory_space<hbm>>) target_semaphore(%run_scoped3A : memref<!tpu.dma_semaphore, #tpu.memory_space<semaphore_mem>>)
      %dma_wait3A = arith.constant 0 : i32
      %dma_wait3A_18 = tpu.memref_slice %arg6[%add3A_14, %dma_wait3A] : memref<20480x128xf32, #tpu.memory_space<hbm>> -> memref<640x128xf32, #tpu.memory_space<hbm>>
      %dma_wait3A_19 = arith.constant 0 : i32
      %dma_wait3A_20 = tpu.memref_slice %arg10[%mul3A_9, %dma_wait3A_19] : memref<10240x128xf32, #tpu.memory_space<vmem_shared>> -> memref<640x128xf32, #tpu.memory_space<vmem_shared>>
      tpu.wait_dma2 semaphore(%run_scoped3A : memref<!tpu.dma_semaphore, #tpu.memory_space<semaphore_mem>>) src(%dma_wait3A_20 : memref<640x128xf32, #tpu.memory_space<vmem_shared>>) dst(%dma_wait3A_18 : memref<640x128xf32, #tpu.memory_space<hbm>>)
      tpu.yield
    }) : () -> ()
    return
  }
}

module attributes {stable_mosaic.version = 14 : i64} {
  func.func @_tc_layer1_body(%arg0: i32, %arg1: memref<2x1024x144xf32, #tpu.memory_space<vmem>>, %arg2: memref<1024x144xf32, #tpu.memory_space<vmem>>, %arg3: memref<128x128xf32, #tpu.memory_space<vmem>>, %arg4: memref<1x128xf32, #tpu.memory_space<vmem>>, %arg5: memref<128x128xf32, #tpu.memory_space<vmem>>, %arg6: memref<1024x128xf32, #tpu.memory_space<vmem>>, %arg7: memref<1024x128xf32, #tpu.memory_space<vmem>>) attributes {dimension_semantics = [#tpu.dimension_semantics<arbitrary>], iteration_bounds = array<i64: 10>, scalar_prefetch = 0 : i64, scratch_operands = 0 : i64, tpu.core_type = #tpu.core_type<tc>, window_params = [{transform_indices = @transform_0, window_bounds = array<i64: 2, 1024, 144>}, {transform_indices = @transform_1, window_bounds = array<i64: 1024, 144>}, {pipeline_mode = #tpu.pipeline_mode<synchronous>, transform_indices = @transform_2, window_bounds = array<i64: 128, 128>}, {pipeline_mode = #tpu.pipeline_mode<synchronous>, transform_indices = @transform_3, window_bounds = array<i64: 1, 128>}, {pipeline_mode = #tpu.pipeline_mode<synchronous>, transform_indices = @transform_4, window_bounds = array<i64: 128, 128>}, {transform_indices = @transform_5, window_bounds = array<i64: 1024, 128>}, {transform_indices = @transform_6, window_bounds = array<i64: 1024, 128>}]} {
    %get3A = arith.constant 0 : index
    %get3A_0 = arith.constant 0 : index
    %get3A_1 = arith.constant 0 : index
    %get3A_2 = vector.load %arg1[%get3A, %get3A_0, %get3A_1] : memref<2x1024x144xf32, #tpu.memory_space<vmem>>, vector<1x1024x144xf32>
    %get3A_3 = vector.shape_cast %get3A_2 : vector<1x1024x144xf32> to vector<1024x144xf32>
    %get3A_4 = arith.constant 1 : index
    %get3A_5 = arith.constant 0 : index
    %get3A_6 = arith.constant 0 : index
    %get3A_7 = vector.load %arg1[%get3A_4, %get3A_5, %get3A_6] : memref<2x1024x144xf32, #tpu.memory_space<vmem>>, vector<1x1024x144xf32>
    %get3A_8 = vector.shape_cast %get3A_7 : vector<1x1024x144xf32> to vector<1024x144xf32>
    %add3A = arith.addf %get3A_3, %get3A_8 : vector<1024x144xf32>
    %slice3A = vector.extract_strided_slice %add3A {offsets = [0, 0], sizes = [1024, 128], strides = [1, 1]} : vector<1024x144xf32> to vector<1024x128xf32>
    %slice3A_9 = vector.extract_strided_slice %add3A {offsets = [0, 128], sizes = [1024, 1], strides = [1, 1]} : vector<1024x144xf32> to vector<1024x1xf32>
    %max3A = arith.constant 1.000000e+00 : f32
    %max3A_10 = vector.broadcast %max3A : f32 to vector<1024x1xf32>
    %max3A_11 = arith.maximumf %slice3A_9, %max3A_10 : vector<1024x1xf32>
    %div3A = arith.constant 1.000000e+00 : f32
    %div3A_12 = vector.broadcast %div3A : f32 to vector<1024x1xf32>
    %div3A_13 = arith.divf %div3A_12, %max3A_11 : vector<1024x1xf32>
    %mul3A = vector.broadcast %div3A_13 : vector<1024x1xf32> to vector<1024x128xf32>
    %mul3A_14 = arith.mulf %slice3A, %mul3A : vector<1024x128xf32>
    %get3A_15 = arith.constant 0 : index
    %get3A_16 = arith.constant 0 : index
    %get3A_17 = vector.load %arg3[%get3A_15, %get3A_16] : memref<128x128xf32, #tpu.memory_space<vmem>>, vector<128x128xf32>
    %dot_general3A = arith.constant dense<0.000000e+00> : vector<1024x128xf32>
    %dot_general3A_18 = tpu.matmul %mul3A_14, %get3A_17, %dot_general3A {dimension_numbers = #tpu.dot_dimension_numbers<[1], [0], [0], [1], [0, 0, 1, 1], [], []>, transpose_lhs_hint = false} : vector<1024x128xf32>, vector<128x128xf32>, vector<1024x128xf32> -> vector<1024x128xf32>
    %get3A_19 = arith.constant 0 : index
    %get3A_20 = arith.constant 0 : index
    %get3A_21 = vector.load %arg4[%get3A_19, %get3A_20] : memref<1x128xf32, #tpu.memory_space<vmem>>, vector<1x128xf32>
    %add3A_22 = vector.broadcast %get3A_21 : vector<1x128xf32> to vector<1024x128xf32>
    %add3A_23 = arith.addf %dot_general3A_18, %add3A_22 : vector<1024x128xf32>
    %get3A_24 = arith.constant 0 : index
    %get3A_25 = arith.constant 0 : index
    %get3A_26 = vector.load %arg2[%get3A_24, %get3A_25] : memref<1024x144xf32, #tpu.memory_space<vmem>>, vector<1024x144xf32>
    %slice3A_27 = vector.extract_strided_slice %get3A_26 {offsets = [0, 0], sizes = [1024, 128], strides = [1, 1]} : vector<1024x144xf32> to vector<1024x128xf32>
    %get3A_28 = arith.constant 0 : index
    %get3A_29 = arith.constant 0 : index
    %get3A_30 = vector.load %arg5[%get3A_28, %get3A_29] : memref<128x128xf32, #tpu.memory_space<vmem>>, vector<128x128xf32>
    %dot_general3A_31 = arith.constant dense<0.000000e+00> : vector<1024x128xf32>
    %dot_general3A_32 = tpu.matmul %slice3A_27, %get3A_30, %dot_general3A_31 {dimension_numbers = #tpu.dot_dimension_numbers<[1], [0], [0], [1], [0, 0, 1, 1], [], []>, transpose_lhs_hint = false} : vector<1024x128xf32>, vector<128x128xf32>, vector<1024x128xf32> -> vector<1024x128xf32>
    %add3A_33 = arith.addf %add3A_23, %dot_general3A_32 : vector<1024x128xf32>
    %max3A_34 = arith.constant 0.000000e+00 : f32
    %max3A_35 = vector.broadcast %max3A_34 : f32 to vector<1024x128xf32>
    %max3A_36 = arith.maximumf %add3A_33, %max3A_35 : vector<1024x128xf32>
    %swap3A = arith.constant 0 : index
    %swap3A_37 = arith.constant 0 : index
    %swap3A_38 = vector.load %arg6[%swap3A, %swap3A_37] : memref<1024x128xf32, #tpu.memory_space<vmem>>, vector<1024x128xf32>
    tpu.vector_store %arg6[%swap3A, %swap3A_37], %max3A_36 {strides = array<i32>} : memref<1024x128xf32, #tpu.memory_space<vmem>>, vector<1024x128xf32>,
    %broadcast_in_dim3A = vector.shape_cast %div3A_13 : vector<1024x1xf32> to vector<1024x1xf32>
    %broadcast_in_dim3A_39 = vector.broadcast %broadcast_in_dim3A : vector<1024x1xf32> to vector<1024x128xf32>
    %swap3A_40 = arith.constant 0 : index
    %swap3A_41 = arith.constant 0 : index
    %swap3A_42 = vector.load %arg7[%swap3A_40, %swap3A_41] : memref<1024x128xf32, #tpu.memory_space<vmem>>, vector<1024x128xf32>
    tpu.vector_store %arg7[%swap3A_40, %swap3A_41], %broadcast_in_dim3A_39 {strides = array<i32>} : memref<1024x128xf32, #tpu.memory_space<vmem>>, vector<1024x128xf32>,
    return
  }
  func.func @transform_0(%arg0: i32) -> (i32, i32, i32) {
    %c0_i32 = arith.constant 0 : i32
    %c0_i32_0 = arith.constant 0 : i32
    %c0_i32_1 = arith.constant 0 : i32
    return %c0_i32, %arg0, %c0_i32_0 : i32, i32, i32
  }
  func.func @transform_1(%arg0: i32) -> (i32, i32) {
    %c0_i32 = arith.constant 0 : i32
    %c0_i32_0 = arith.constant 0 : i32
    return %arg0, %c0_i32 : i32, i32
  }
  func.func @transform_2(%arg0: i32) -> (i32, i32) {
    %c0_i32 = arith.constant 0 : i32
    %c0_i32_0 = arith.constant 0 : i32
    %c0_i32_1 = arith.constant 0 : i32
    return %c0_i32, %c0_i32_0 : i32, i32
  }
  func.func @transform_3(%arg0: i32) -> (i32, i32) {
    %c0_i32 = arith.constant 0 : i32
    %c0_i32_0 = arith.constant 0 : i32
    %c0_i32_1 = arith.constant 0 : i32
    return %c0_i32, %c0_i32_0 : i32, i32
  }
  func.func @transform_4(%arg0: i32) -> (i32, i32) {
    %c0_i32 = arith.constant 0 : i32
    %c0_i32_0 = arith.constant 0 : i32
    %c0_i32_1 = arith.constant 0 : i32
    return %c0_i32, %c0_i32_0 : i32, i32
  }
  func.func @transform_5(%arg0: i32) -> (i32, i32) {
    %c0_i32 = arith.constant 0 : i32
    %c0_i32_0 = arith.constant 0 : i32
    return %arg0, %c0_i32 : i32, i32
  }
  func.func @transform_6(%arg0: i32) -> (i32, i32) {
    %c0_i32 = arith.constant 0 : i32
    %c0_i32_0 = arith.constant 0 : i32
    return %arg0, %c0_i32 : i32, i32
  }
}

module attributes {stable_mosaic.version = 14 : i64} {
  func.func @_tc_layer2_body(%arg0: i32, %arg1: memref<2x1024x128xf32, #tpu.memory_space<vmem>>, %arg2: memref<1024x128xf32, #tpu.memory_space<vmem>>, %arg3: memref<1024x128xf32, #tpu.memory_space<vmem>>, %arg4: memref<128x128xf32, #tpu.memory_space<vmem>>, %arg5: memref<1x128xf32, #tpu.memory_space<vmem>>, %arg6: memref<128x128xf32, #tpu.memory_space<vmem>>, %arg7: memref<1024x128xf32, #tpu.memory_space<vmem>>) attributes {dimension_semantics = [#tpu.dimension_semantics<arbitrary>], iteration_bounds = array<i64: 10>, scalar_prefetch = 0 : i64, scratch_operands = 0 : i64, tpu.core_type = #tpu.core_type<tc>, window_params = [{transform_indices = @transform_0, window_bounds = array<i64: 2, 1024, 128>}, {transform_indices = @transform_1, window_bounds = array<i64: 1024, 128>}, {transform_indices = @transform_2, window_bounds = array<i64: 1024, 128>}, {pipeline_mode = #tpu.pipeline_mode<synchronous>, transform_indices = @transform_3, window_bounds = array<i64: 128, 128>}, {pipeline_mode = #tpu.pipeline_mode<synchronous>, transform_indices = @transform_4, window_bounds = array<i64: 1, 128>}, {pipeline_mode = #tpu.pipeline_mode<synchronous>, transform_indices = @transform_5, window_bounds = array<i64: 128, 128>}, {transform_indices = @transform_6, window_bounds = array<i64: 1024, 128>}]} {
    %get3A = arith.constant 0 : index
    %get3A_0 = arith.constant 0 : index
    %get3A_1 = arith.constant 0 : index
    %get3A_2 = vector.load %arg1[%get3A, %get3A_0, %get3A_1] : memref<2x1024x128xf32, #tpu.memory_space<vmem>>, vector<1x1024x128xf32>
    %get3A_3 = vector.shape_cast %get3A_2 : vector<1x1024x128xf32> to vector<1024x128xf32>
    %get3A_4 = arith.constant 1 : index
    %get3A_5 = arith.constant 0 : index
    %get3A_6 = arith.constant 0 : index
    %get3A_7 = vector.load %arg1[%get3A_4, %get3A_5, %get3A_6] : memref<2x1024x128xf32, #tpu.memory_space<vmem>>, vector<1x1024x128xf32>
    %get3A_8 = vector.shape_cast %get3A_7 : vector<1x1024x128xf32> to vector<1024x128xf32>
    %add3A = arith.addf %get3A_3, %get3A_8 : vector<1024x128xf32>
    %get3A_9 = arith.constant 0 : index
    %get3A_10 = arith.constant 0 : index
    %get3A_11 = vector.load %arg3[%get3A_9, %get3A_10] : memref<1024x128xf32, #tpu.memory_space<vmem>>, vector<1024x128xf32>
    %mul3A = arith.mulf %add3A, %get3A_11 : vector<1024x128xf32>
    %get3A_12 = arith.constant 0 : index
    %get3A_13 = arith.constant 0 : index
    %get3A_14 = vector.load %arg4[%get3A_12, %get3A_13] : memref<128x128xf32, #tpu.memory_space<vmem>>, vector<128x128xf32>
    %dot_general3A = arith.constant dense<0.000000e+00> : vector<1024x128xf32>
    %dot_general3A_15 = tpu.matmul %mul3A, %get3A_14, %dot_general3A {dimension_numbers = #tpu.dot_dimension_numbers<[1], [0], [0], [1], [0, 0, 1, 1], [], []>, transpose_lhs_hint = false} : vector<1024x128xf32>, vector<128x128xf32>, vector<1024x128xf32> -> vector<1024x128xf32>
    %get3A_16 = arith.constant 0 : index
    %get3A_17 = arith.constant 0 : index
    %get3A_18 = vector.load %arg5[%get3A_16, %get3A_17] : memref<1x128xf32, #tpu.memory_space<vmem>>, vector<1x128xf32>
    %add3A_19 = vector.broadcast %get3A_18 : vector<1x128xf32> to vector<1024x128xf32>
    %add3A_20 = arith.addf %dot_general3A_15, %add3A_19 : vector<1024x128xf32>
    %get3A_21 = arith.constant 0 : index
    %get3A_22 = arith.constant 0 : index
    %get3A_23 = vector.load %arg2[%get3A_21, %get3A_22] : memref<1024x128xf32, #tpu.memory_space<vmem>>, vector<1024x128xf32>
    %get3A_24 = arith.constant 0 : index
    %get3A_25 = arith.constant 0 : index
    %get3A_26 = vector.load %arg6[%get3A_24, %get3A_25] : memref<128x128xf32, #tpu.memory_space<vmem>>, vector<128x128xf32>
    %dot_general3A_27 = arith.constant dense<0.000000e+00> : vector<1024x128xf32>
    %dot_general3A_28 = tpu.matmul %get3A_23, %get3A_26, %dot_general3A_27 {dimension_numbers = #tpu.dot_dimension_numbers<[1], [0], [0], [1], [0, 0, 1, 1], [], []>, transpose_lhs_hint = false} : vector<1024x128xf32>, vector<128x128xf32>, vector<1024x128xf32> -> vector<1024x128xf32>
    %add3A_29 = arith.addf %add3A_20, %dot_general3A_28 : vector<1024x128xf32>
    %swap3A = arith.constant 0 : index
    %swap3A_30 = arith.constant 0 : index
    %swap3A_31 = vector.load %arg7[%swap3A, %swap3A_30] : memref<1024x128xf32, #tpu.memory_space<vmem>>, vector<1024x128xf32>
    tpu.vector_store %arg7[%swap3A, %swap3A_30], %add3A_29 {strides = array<i32>} : memref<1024x128xf32, #tpu.memory_space<vmem>>, vector<1024x128xf32>,
    return
  }
  func.func @transform_0(%arg0: i32) -> (i32, i32, i32) {
    %c0_i32 = arith.constant 0 : i32
    %c0_i32_0 = arith.constant 0 : i32
    %c0_i32_1 = arith.constant 0 : i32
    return %c0_i32, %arg0, %c0_i32_0 : i32, i32, i32
  }
  func.func @transform_1(%arg0: i32) -> (i32, i32) {
    %c0_i32 = arith.constant 0 : i32
    %c0_i32_0 = arith.constant 0 : i32
    return %arg0, %c0_i32 : i32, i32
  }
  func.func @transform_2(%arg0: i32) -> (i32, i32) {
    %c0_i32 = arith.constant 0 : i32
    %c0_i32_0 = arith.constant 0 : i32
    return %arg0, %c0_i32 : i32, i32
  }
  func.func @transform_3(%arg0: i32) -> (i32, i32) {
    %c0_i32 = arith.constant 0 : i32
    %c0_i32_0 = arith.constant 0 : i32
    %c0_i32_1 = arith.constant 0 : i32
    return %c0_i32, %c0_i32_0 : i32, i32
  }
  func.func @transform_4(%arg0: i32) -> (i32, i32) {
    %c0_i32 = arith.constant 0 : i32
    %c0_i32_0 = arith.constant 0 : i32
    %c0_i32_1 = arith.constant 0 : i32
    return %c0_i32, %c0_i32_0 : i32, i32
  }
  func.func @transform_5(%arg0: i32) -> (i32, i32) {
    %c0_i32 = arith.constant 0 : i32
    %c0_i32_0 = arith.constant 0 : i32
    %c0_i32_1 = arith.constant 0 : i32
    return %c0_i32, %c0_i32_0 : i32, i32
  }
  func.func @transform_6(%arg0: i32) -> (i32, i32) {
    %c0_i32 = arith.constant 0 : i32
    %c0_i32_0 = arith.constant 0 : i32
    return %arg0, %c0_i32 : i32, i32
  }
}

</mosaic_0001>

<sc_bundles>
// kernel: kernel.6.cloned.1.call-start
scs
__scs_entry_jumppad:
0x0: {  	(pc) =	sbr.rel $0x88, $3  }
0x1: {  	(tag) =	ssettag $0x0;
	lr =	simm.s32 $0x1  }
0x2: {  	[smem:$0x3F99] =	sst lr;
	_ =	strace $0xD0000000  }
0x3: {  	_ = 	snop  }
0x4: {  	_ = 	snop  }
0x5: {  	_ = 	snop  }
0x6: {  	_ = 	snop  }
0x7: {  	_ = 	snop  }
__scs_overlays_trampoline_lowered:
0x8: {  	[smem:$0x3FA8] =	sst s0  }
0x9: {  	[smem:$0x3FA9] =	sst s1  }
0xa: {  	[smem:$0x3FAA] =	sst s2  }
0xb: {  	[smem:$0x3FAB] =	sst s3  }
0xc: {  	[smem:$0x3FAC] =	sst s4  }
0xd: {  	[smem:$0x3FAD] =	sst s5  }
0xe: {  	[smem:$0x3FAE] =	sst s6  }
0xf: {  	[smem:$0x3FAF] =	sst s7  }
0x10: {  	[smem:$0x3FB0] =	sst s8  }
0x11: {  	[smem:$0x3FB1] =	sst s9;
	s0 =	simm.s32 @!p0 $0x0  }
0x12: {  	s1 =	sld [smem:$0x3F97];
	s0 =	simm.s32 @p0 $0x1  }
0x13: {  	[smem:$0x3FB2] =	sst s0;
	s0 =	simm.s32 @!p1 $0x0  }
0x14: {  	s2 =	sld [smem:$0x3F96];
	s0 =	simm.s32 @p1 $0x1  }
0x15: {  	[smem:$0x3FB3] =	sst s0;
	s0 =	simm.s32 @!p2 $0x0  }
0x16: {  	s3 =	sld [smem:$0x3FDB];
	s0 =	simm.s32 @p2 $0x1  }
0x17: {  	s4 =	simm.s32 $0x1BF5;
	[smem:$0x3FB5] =	sst s0  }
0x18: {  	s0 =	sld [smem:$0x3F98];
	_ =	swait.ge [sflag:s4], $0x0  }
0x19: {  	s7 =	sld [smem:$0x3F99]  }
0x1a: {  	s8 =	sadd.s32 $0xFFFFE003, lr  }
0x1b: {  	s9 =	sadd.s32 $0xFFFFFEF7, lr;
	s5 =	simm.s32 $0xFFFFFFFF;
	p2 =	slt.u32 s8, $0xFFFFF086  }
0x1c: {  	p1 =	slt.u32 s9, $0xF7A;
	s5 =	simm.s32 @!p2 $0x0  }
0x1d: {  	s5 =	simm.s32 @p1 $0x1;
	p0 =	seq.s32 s7, s2  }
0x1e: {  	s7 =	smul.u32 @!p0 $0xF7A, s2;
	p2 =	seq.s32 @!p0 s5, $0x0  }
0x1f: {  	s9 =	smul.u32 $0xF7A, s1;
	s8 =	simm.s32 @!p0 $0x1BF5;
	p2 =	por !p2, p0  }
0x20: {  	[sflag:s8] =	ssyncset.s32 @!p0 $0xFFFFF086;
	s6 =	sadd.s32 @!p0 s3, s7;
	s7 =	simm.s32 @!p0 $0x108  }
0x21: {  	s3 =	sadd.s32 s3, s9;
	s6 =	sadd.s32 @!p0 $0x88, s6;
	s7 =	simm.s32 @p2 $0x1082  }
0x22: {  	[simem:s7], [sflag:s8] =	dma.local @!p0 [hbm:s6], $0xF7A  }
0x23: {  	s9 =	sor.u32 $0xD0000000, s2;
	s6 =	simm.s32 $0x108;
	_ =	swait.ge @!p0 [sflag:s8], $0x0  }
0x24: {  	s3 =	sadd.s32 $0x88, s3;
	s6 =	simm.s32 @!p1 $0x1082;
	[sflag:s4] =	ssyncset.s32 $0xFFFFF086  }
0x25: {  	[simem:s6], [sflag:s4] =	dma.local [hbm:s3], $0xF7A  }
0x26: {  	[smem:$0x3F99] =	sst s1;
	(tag) =	ssettag s2;
	_ =	strace s9  }
0x27: {  	s1 =	sld [smem:$0x3FA9]  }
0x28: {  	s2 =	sld [smem:$0x3FAA]  }
0x29: {  	s4 =	sld [smem:$0x3FAC]  }
0x2a: {  	p0 =	seq.s32 s5, $0x0;
	s5 =	sld [smem:$0x3FAD]  }
0x2b: {  	s6 =	sld [smem:$0x3FAE]  }
0x2c: {  	s7 =	sld [smem:$0x3FAF]  }
0x2d: {  	s3 =	simm.s32 $0x108;
	s8 =	sld [smem:$0x3FB0]  }
0x2e: {  	s3 =	simm.s32 @!p0 $0x1082;
	s9 =	sld [smem:$0x3FB1]  }
0x2f: {  	lr =	sadd.s32 s0, s3;
	s0 =	sld [smem:$0x3FA8]  }
0x30: {  	s3 =	sld [smem:$0x3FAB]  }
0x31: {  	[smem:$0x3FB4] =	sst s10  }
0x32: {  	s10 =	sld [smem:$0x3FB2];
	_ =	sdelay $0x3  }
0x33: {  	p0 =	seq.s32 s10, $0x1;
	s10 =	sld [smem:$0x3FB4];
	_ =	sdelay $0x3  }
0x34: {  	[smem:$0x3FB4] =	sst s10  }
0x35: {  	s10 =	sld [smem:$0x3FB3];
	_ =	sdelay $0x3  }
0x36: {  	p1 =	seq.s32 s10, $0x1;
	s10 =	sld [smem:$0x3FB4];
	_ =	sdelay $0x3  }
0x37: {  	[smem:$0x3FB4] =	sst s10  }
0x38: {  	s10 =	sld [smem:$0x3FB5]  }
0x39: {  	_ = 	snop;
	(pc) =	sbr.ind lr, $3  }
0x3a: {  	_ = 	snop  }
0x3b: {  	_ = 	snop  }
0x3c: {  	p2 =	seq.s32 s10, $0x1;
	s10 =	sld [smem:$0x3FB4]  }
0x3d: {  	_ =	shalt  }
0x3e: {  	_ =	shalt  }
0x3f: {  	_ =	shalt  }
0x40: {  	_ =	shalt  }
0x41: {  	_ =	shalt  }
0x42: {  	_ =	shalt  }
0x43: {  	_ =	shalt  }
0x44: {  	_ =	shalt  }
0x45: {  	_ =	shalt  }
0x46: {  	_ =	shalt  }
0x47: {  	_ =	shalt  }
0x48: {  	_ =	shalt  }
0x49: {  	_ =	shalt  }
0x4a: {  	_ =	shalt  }
0x4b: {  	_ =	shalt  }
0x4c: {  	_ =	shalt  }
0x4d: {  	_ =	shalt  }
0x4e: {  	_ =	shalt  }
0x4f: {  	_ =	shalt  }
0x50: {  	_ =	shalt  }
0x51: {  	_ =	shalt  }
0x52: {  	_ =	shalt  }
0x53: {  	_ =	shalt  }
0x54: {  	_ =	shalt  }
0x55: {  	_ =	shalt  }
0x56: {  	_ =	shalt  }
0x57: {  	_ =	shalt  }
0x58: {  	_ =	shalt  }
0x59: {  	_ =	shalt  }
0x5a: {  	_ =	shalt  }
0x5b: {  	_ =	shalt  }
0x5c: {  	_ =	shalt  }
0x5d: {  	_ =	shalt  }
0x5e: {  	_ =	shalt  }
0x5f: {  	_ =	shalt  }
0x60: {  	_ =	shalt  }
0x61: {  	_ =	shalt  }
0x62: {  	_ =	shalt  }
0x63: {  	_ =	shalt  }
0x64: {  	_ =	shalt  }
0x65: {  	_ =	shalt  }
0x66: {  	_ =	shalt  }
0x67: {  	_ =	shalt  }
0x68: {  	_ =	shalt  }
0x69: {  	_ =	shalt  }
0x6a: {  	_ =	shalt  }
0x6b: {  	_ =	shalt  }
0x6c: {  	_ =	shalt  }
0x6d: {  	_ =	shalt  }
0x6e: {  	_ =	shalt  }
0x6f: {  	_ =	shalt  }
0x70: {  	_ =	shalt  }
0x71: {  	_ =	shalt  }
0x72: {  	_ =	shalt  }
0x73: {  	_ =	shalt  }
0x74: {  	_ =	shalt  }
0x75: {  	_ =	shalt  }
0x76: {  	_ =	shalt  }
0x77: {  	_ =	shalt  }
0x78: {  	_ =	shalt  }
0x79: {  	_ =	shalt  }
0x7a: {  	_ =	shalt  }
0x7b: {  	_ =	shalt  }
0x7c: {  	_ =	shalt  }
0x7d: {  	_ =	shalt  }
0x7e: {  	_ =	shalt  }
0x7f: {  	_ =	shalt  }
0x80: {  	_ =	shalt  }
0x81: {  	_ =	shalt  }
0x82: {  	_ =	shalt  }
0x83: {  	_ =	shalt  }
0x84: {  	_ =	shalt  }
0x85: {  	_ =	shalt  }
0x86: {  	_ =	shalt  }
0x87: {  	_ =	shalt  }
.Lfunc_end0:
.L_simem_size_0:
called_computation_lowered:
.L_overlay_start_0:
0x88: {  	s2 =	sld [smem:$0x3FD9]  }
0x89: {  	s3 =	sld [smem:$0x3FFE];
	_ =	sdelay $0x1  }
0x8a: {  	s1 =	srdreg.scid  }
0x8b: {  	s0 =	sand.u32 $0x1, s1  }
0x8c: {  	s17 =	sshll.u32 s0, $0xA;
	s2 =	sadd.s32 s3, s2  }
0x8d: {  	s2 =	sadd.s32 s2, s17  }
0x8e: {  	[smem:$0x3FC0] =	sst s2  }
0x8f: {  	_ = 	snop  }
0x90: {  	s2 =	sld [smem:$0x3FD0];
	(tm) =	ssettm $0x1  }
0x91: {  	s18 =	sld [smem:$0x3FFB];
	_ =	sdelay $0x3  }
0x92: {  	_ =	strace s18  }
0x93: {  	s3 =	sld [smem:$0x3FFC];
	_ =	sdelay $0x3  }
0x94: {  	_ =	strace s3  }
0x95: {  	s3 =	sld [smem:$0x3FFD];
	_ =	sdelay $0x3  }
0x96: {  	_ =	strace s3  }
0x97: {  	_ =	strace $0x8FFFFFFF  }
0x98: {  	s19 =	sld [smem:$0x3FDB];
	_ =	sdelay $0x1  }
0x99: {  	s4 =	simm.s32 $_scs_section_size  }
0x9a: {  	s5 =	simm.s32 $_size__tile_overlayer_lowered;
	s6 =	simm.s32 $_tile_overlayer_lowered  }
0x9b: {  	s22 =	simm.s32 $0x1BFF;
	s21 =	sshll.u32 s6, $0x1;
	s3 =	sadd.s32 s4, s19  }
0x9c: {  	s7 =	simm.s32 $0x0;
	s20 =	sshll.u32 s5, $0x1;
	s5 =	sadd.s32 s21, s3  }
0x9d: {  	[timem:s7], [sflag:s22] =	dma.local [hbm:s5], s20  }
0x9e: {  	_ =	swait.ge [sflag:s22], s20  }
0x9f: {  	s4 =	ssub.s32 $0x0, s20;
	[sflag:s22] =	ssyncset.done $0x0  }
0xa0: {  	[sflag:s22] =	ssyncadd.s32 s4;
	_ =	sdelay $0x1  }
0xa1: {  	s23 =	simm.s32 $0x1B8B  }
0xa2: {  	_ =	swait.ge [sflag:s23], $0x1  }
0xa3: {  	[sflag:s23] =	ssyncset.done $0x0  }
0xa4: {  	s25 =	simm.s32 $0x1B8E;
	s24 =	sld [smem:$0x3FFE];
	[sflag:s23] =	ssyncadd.s32 $0xFFFFFFFF  }
0xa5: {  	s26 =	simm.s32 $execute0_lowered;
	[smem:$0x3FD2] =	sst s25  }
0xa6: {  	s5 =	sshll.u32 s26, $0x1;
	_ =	strace $0x80000046;
	[dreg:$0x1] =	wrdreg $0xFFFFFFFF  }
0xa7: {  	s28 =	simm.s32 $_size_execute0_lowered;
	s3 =	sadd.s32 s3, s5;
	[dreg:$0x0] =	wrdreg $0x0  }
0xa8: {  	s5 =	sshll.u32 s28, $0x1;
	[dreg:$0x2] =	wrdreg s3  }
0xa9: {  	[dreg:$0x3] =	wrdreg s5  }
0xaa: {  	[dreg:$0x4] =	wrdreg $0xC0  }
0xab: {  	_ =	task [dreg:s7], $0x5FFFF  }
0xac: {  	[dreg:$0x1] =	wrdreg $0xFFFFFFFF  }
0xad: {  	[dreg:$0x0] =	wrdreg $0x60  }
0xae: {  	[dreg:$0x2] =	wrdreg s24  }
0xaf: {  	[dreg:$0x3] =	wrdreg s2  }
0xb0: {  	[dreg:$0x4] =	wrdreg $0x58000  }
0xb1: {  	[dreg:$0x5] =	wrdreg $0x9  }
0xb2: {  	_ =	task.clear_ibuf [dreg:s7], $0x6FFFF;
	_ =	strace $0x90000046  }
0xb3: {  	s29 =	simm.s32 $0x9;
	_ =	strace $0x80000048  }
0xb4: {  	_ =	swait.ge [sflag:s29], $0x1  }
0xb5: {  	[sflag:s29] =	ssyncadd.s32 $0xFFFFFFFF  }
0xb6: {  	_ =	strace $0x90000048  }
0xb7: {  	_ =	sfence  }
0xb8: {  	s30 =	sld [smem:$0x0];
	_ =	sdelay $0x2  }
0xb9: {  	s31 =	sshll.u32 s1, $0xD;
	s1 =	sshrl.u32 s1, $0x2  }
0xba: {  	s3 =	sand.u32 $0x4000, s31;
	s1 =	sadd.s32 s1, s30  }
0xbb: {  	s0 =	sor.u32 s3, s0;
	s1 =	sshll.u32 s1, $0x11  }
0xbc: {  	s0 =	sor.u32 s1, s0  }
0xbd: {  	s0 =	sadd.s32 $0x8F2B, s0  }
0xbe: {  	[sflag:s0] =	ssyncadd.remote.s32 $0x1  }
0xbf: {  	_ =	sfence.sel $0xFFFF  }
0xc0: {  	[dreg:$0x0] =	wrdreg $0xFFFFFFFF;
	(pc) =	sbr.abs _section_cstart, $3  }
0xc1: {  	[dreg:$0x1] =	wrdreg $0xFFFFFFFF  }
0xc2: {  	_ =	task.clear_ibuf [dreg:s7], $0x2FFFF;
	_ =	strace $0x9FFFFFFF  }
0xc3: {  	(tm) =	ssettm $0x7FFFFFFF  }
tec
execute0_lowered:
.L_overlay_start_1:
0x0: {  	(tag) =	ssettag $0x1  }
0x1: {  	s8 =	rddreg [dreg:$0x0]  }
0x2: {  	s1 =	rddreg [dreg:$0x1]  }
0x3: {  	s3 =	rddreg [dreg:$0x2]  }
0x4: {  	s0 =	rddreg [dreg:$0x3]  }
0x5: {  	s4 =	simm.s32 $0x0;
	s5 =	srdreg.scid;
	s2 =	stileid.u32  }
0x6: {  	s14 =	simm.s32 $0x800;
	s15 =	simm.s32 $0x40;
	s16 =	simm.s32 $0x1000  }
0x7: {  	s17 =	simm.s32 $0x3400;
	s18 =	simm.s32 $0x1;
	s19 =	simm.s32 $0x2  }
0x8: {  	s20 =	simm.s32 $0xF80;
	s21 =	simm.s32 $0xFC0;
	[smem:$0x7FF] =	sst s4  }
0x9: {  	s9 =	sand.u32 $0x1, s5;
	s10 =	smul.u32 $0x2D00, s2;
	s5 =	sadd.s32 $0x1200, s8  }
0xa: {  	s6 =	sadd.s32 $0x2E200, s8;
	s7 =	sadd.s32 $0x38200, s8;
	s13 =	smul.u32 $0x5A000, s2  }
0xb: {  	s29 =	sshll.u32 s2, $0x1;
	s31 =	sshll.u32 s2, $0x6;
	_ =	strace $0x80000047  }
0xc: {  	s11 =	smul.u32 $0x2D000, s9;
	s12 =	ssub.s32 $0x2, s9;
	s9 =	sor.u32 s9, s29  }
0xd: {  	s28 =	sshrl.u32 s12, $0x1;
	s30 =	sshrl.u32 s13, $0x2;
	s9 =	smul.u32 $0x2800, s9  }
0xe: {  	s10 =	sadd.s32 s10, s11;
	s11 =	ssub.s32 s12, s28;
	s13 =	sadd.s32 s30, s3  }
0xf: {  	s10 =	sadd.s32 s10, s8;
	s8 =	sor.u32 $0x1C03, s31;
	s11 =	smax.u32 s11, $0x1  }
0x10: {  	s12 =	sshrl.u32 s13, $0x3;
	s13 =	simm.s32 $0x3;
	s10 =	sadd.s32 $0x3B000, s10  }
.LBB2_1:
0x11: {  	[spmem:s12], [sflag:s8] =	dma.local [hbm:s7], $0x2D00  }
0x12: {  	_ =	swait.ge [sflag:s13], $0x2D00  }
0x13: {  	[sflag:s13] =	ssyncset.done $0x0  }
0x14: {  	[sflag:s13] =	ssyncadd.s32 $0xFFFFD300  }
0x15: {  	s22 =	simm.s32 $0x0;
	[bflag:$0x0] =	sbarrier.arrive $0xFFFF  }
.LBB2_2:
0x16: {  	s23 =	sshll.u32 s22, $0xB  }
0x17: {  	s23 =	sadd.s32 s9, s23  }
0x18: {  	s23 =	sshrl.u32 s23, $0x3  }
0x19: {  	s25 =	simm.s32 $0x0;
	s24 =	sadd.s32 s1, s23  }
0x1a: {  	[tilespmem:s25], [sflag:$0x3] =	stream.linear.gather [hbm4b:s24+s25], $0x800, $0x38;
	[tilespmem:$0x1C000] =	vst v63  }
0x1b: {  	_ =	swait.ge [sflag:s13], $0x800  }
0x1c: {  	[sflag:s13] =	ssyncset.done $0x0  }
0x1d: {  	s23 =	sadd.s32 s6, s23;
	[sflag:s13] =	ssyncadd.s32 $0xFFFFF800  }
0x1e: {  	[tilespmem:s14], [sflag:$0x3] =	stream.linear.gather [hbm4b:s23+s25], $0x800, $0x38;
	[tilespmem:$0x1C000] =	vst v63  }
0x1f: {  	_ =	swait.ge [sflag:s13], $0x800  }
0x20: {  	[sflag:s13] =	ssyncset.done $0x0  }
0x21: {  	[sflag:s13] =	ssyncadd.s32 $0xFFFFF800  }
0x22: {  	[tilespmem:s16], [sflag:$0x1] =	stream.indirect.gather [hbm4b:s5+s15], $0x90, s25, s15, $0xb8;
	[tilespmem:$0x1C000] =	vst v63  }
0x23: {  	_ = 	snop  }
0x24: {  	[tilespmem:s17], [sflag:$0x2] =	stream.indirect.gather [hbm4b:s5+s15], $0x90, s15, s15, $0xb8;
	[tilespmem:$0x1C000] =	vst v63  }
0x25: {  	_ =	swait.ge [sflag:s18], $0x2400  }
0x26: {  	[sflag:s18] =	ssyncset.done $0x0  }
0x27: {  	s29 =	simm.s32 $0x800;
	[sflag:s18] =	ssyncadd.s32 $0xFFFFDC00  }
0x28: {  	[spmem:s3] =	stream.indirect.scatter.add.f32 [tilespmem:s16], [sflag:$0x3], $0x90, s29, s15, $0xb8;
	[tilespmem:$0x1C000] =	vst v63  }
0x29: {  	_ =	swait.ge [sflag:s13], $0x2400  }
0x2a: {  	[sflag:s13] =	ssyncset.done $0x0  }
0x2b: {  	s30 =	simm.s32 $0x80;
	[sflag:s13] =	ssyncadd.s32 $0xFFFFDC00  }
0x2c: {  	[tilespmem:s16], [sflag:$0x1] =	stream.indirect.gather [hbm4b:s5+s15], $0x90, s30, s15, $0xb8;
	[tilespmem:$0x1C000] =	vst v63  }
0x2d: {  	_ =	swait.ge [sflag:s19], $0x2400  }
0x2e: {  	[sflag:s19] =	ssyncset.done $0x0  }
0x2f: {  	s31 =	simm.s32 $0x840;
	[sflag:s19] =	ssyncadd.s32 $0xFFFFDC00  }
0x30: {  	[spmem:s3] =	stream.indirect.scatter.add.f32 [tilespmem:s17], [sflag:$0x3], $0x90, s31, s15, $0xb8;
	[tilespmem:$0x1C000] =	vst v63  }
0x31: {  	_ =	swait.ge [sflag:s13], $0x2400  }
0x32: {  	[sflag:s13] =	ssyncset.done $0x0  }
0x33: {  	s24 =	simm.s32 $0xC0;
	s23 =	simm.s32 $0x200;
	[sflag:s13] =	ssyncadd.s32 $0xFFFFDC00  }
.LBB2_3:
0x34: {  	[tilespmem:s17], [sflag:$0x2] =	stream.indirect.gather [hbm4b:s5+s15], $0x90, s24, s15, $0xb8;
	[tilespmem:$0x1C000] =	vst v63  }
0x35: {  	s24 =	smov.u32 s23  }
0x36: {  	p0 =	sne.s32 s23, $0x1C00;
	s23 =	sadd.s32 $0x200, s23;
	_ =	swait.ge [sflag:s18], $0x2400  }
0x37: {  	s24 =	sshra.s32 s24, $0x2;
	[sflag:s18] =	ssyncset.done $0x0  }
0x38: {  	s25 =	sadd.s32 $0x800, s24;
	[sflag:s18] =	ssyncadd.s32 $0xFFFFDC00  }
0x39: {  	[spmem:s3] =	stream.indirect.scatter.add.f32 [tilespmem:s16], [sflag:$0x3], $0x90, s25, s15, $0xb8;
	[tilespmem:$0x1C000] =	vst v63  }
0x3a: {  	_ =	swait.ge [sflag:s13], $0x2400  }
0x3b: {  	[sflag:s13] =	ssyncset.done $0x0  }
0x3c: {  	s25 =	sadd.s32 $0x80, s24;
	[sflag:s13] =	ssyncadd.s32 $0xFFFFDC00  }
0x3d: {  	[tilespmem:s16], [sflag:$0x1] =	stream.indirect.gather [hbm4b:s5+s15], $0x90, s25, s15, $0xb8;
	[tilespmem:$0x1C000] =	vst v63  }
0x3e: {  	_ =	swait.ge [sflag:s19], $0x2400  }
0x3f: {  	[sflag:s19] =	ssyncset.done $0x0  }
.Ltmp0:
0x40: {  	s25 =	sadd.s32 $0x840, s24;
	[sflag:s19] =	ssyncadd.s32 $0xFFFFDC00;
	(pc) =	sbr.rel @p0 .LBB2_3-.Ltmp0, $4  }
0x41: {  	[spmem:s3] =	stream.indirect.scatter.add.f32 [tilespmem:s17], [sflag:$0x3], $0x90, s25, s15, $0xb8;
	[tilespmem:$0x1C000] =	vst v63  }
0x42: {  	_ =	swait.ge [sflag:s13], $0x2400  }
0x43: {  	[sflag:s13] =	ssyncset.done $0x0  }
0x44: {  	s24 =	sadd.s32 $0xC0, s24;
	[sflag:s13] =	ssyncadd.s32 $0xFFFFDC00  }
0x45: {  	[tilespmem:s17], [sflag:$0x2] =	stream.indirect.gather [hbm4b:s5+s15], $0x90, s24, s15, $0xb8;
	[tilespmem:$0x1C000] =	vst v63  }
0x46: {  	_ =	swait.ge [sflag:s18], $0x2400  }
0x47: {  	[sflag:s18] =	ssyncset.done $0x0  }
0x48: {  	[sflag:s18] =	ssyncadd.s32 $0xFFFFDC00  }
0x49: {  	[spmem:s3] =	stream.indirect.scatter.add.f32 [tilespmem:s16], [sflag:$0x3], $0x90, s20, s15, $0xb8;
	[tilespmem:$0x1C000] =	vst v63  }
0x4a: {  	_ =	swait.ge [sflag:s13], $0x2400  }
0x4b: {  	[sflag:s13] =	ssyncset.done $0x0  }
0x4c: {  	[sflag:s13] =	ssyncadd.s32 $0xFFFFDC00  }
0x4d: {  	s22 =	sadd.s32 $0x1, s22;
	_ =	swait.ge [sflag:s19], $0x2400  }
0x4e: {  	p0 =	sne.s32 s22, $0x5;
	[sflag:s19] =	ssyncset.done $0x0  }
.Ltmp1:
0x4f: {  	[sflag:s19] =	ssyncadd.s32 $0xFFFFDC00;
	(pc) =	sbr.rel @p0 .LBB2_2-.Ltmp1, $4  }
0x50: {  	[spmem:s3] =	stream.indirect.scatter.add.f32 [tilespmem:s17], [sflag:$0x3], $0x90, s21, s15, $0xb8;
	[tilespmem:$0x1C000] =	vst v63  }
0x51: {  	_ =	swait.ge [sflag:s13], $0x2400  }
0x52: {  	[sflag:s13] =	ssyncset.done $0x0  }
0x53: {  	[sflag:s13] =	ssyncadd.s32 $0xFFFFDC00  }
0x54: {  	s4 =	sadd.s32 $0x1, s4  }
0x55: {  	p0 =	sne.s32 s4, s11  }
.Ltmp2:
0x56: {  	[bflag:$0x0] =	sbarrier.arrive $0xFFFF;
	(pc) =	sbr.rel @p0 .LBB2_1-.Ltmp2, $4  }
0x57: {  	[hbm:s10], [sflag:s8] =	dma.local [spmem:s12], $0x2D00  }
0x58: {  	_ =	swait.ge [sflag:s13], $0x2D00  }
0x59: {  	[sflag:s13] =	ssyncset.done $0x0  }
0x5a: {  	[sflag:s13] =	ssyncadd.s32 $0xFFFFD300  }
0x5b: {  	_ =	sfence.sel $0x180000  }
0x5c: {  	[bflag:$0x0] =	sbarrier.arrive $0xFFFF  }
0x5d: {  	p0 =	sne.s32 s2, $0x0;
	_ =	strace $0x90000047  }
0x5e: {  	s0 =	sadd.s32 @!p0 $0x100000, s0;
	[bflag:$0x2] =	sbarrier.arrive $0xFFFF  }
0x5f: {  	[sflag:s0] =	ssyncadd.tile.s32 @!p0 $0x1;
	_ =	shalt  }
.Lfunc_end2:
_tile_overlayer_lowered:
.L_overlay_start_2:
0x60: {  	(tag) =	ssettag $0x2  }
0x61: {  	s0 =	rddreg [dreg:$0x0];
	s2 =	stileid.u32  }
0x62: {  	s1 =	rddreg [dreg:$0x1];
	p0 =	sne.s32 s2, $0x0  }
0x63: {  	s3 =	rddreg [dreg:$0x2];
	[bflag:$0x3] =	sbarrier.arrive $0xFFFF;
	s2 =	simm.s32 @!p0 $0x1C03  }
0x64: {  	[timem:s3], [sflag:s2] =	dma.local @!p0 [hbm:s0], s1  }
0x65: {  	s0 =	simm.s32 @!p0 $0x3  }
0x66: {  	_ =	swait.ge @!p0 [sflag:s0], s1  }
0x67: {  	s1 =	ssub.s32 @!p0 $0x0, s1;
	[sflag:s0] =	ssyncset.done @!p0 $0x0  }
0x68: {  	[sflag:s0] =	ssyncadd.s32 @!p0 s1  }
0x69: {  	[bflag:$0x3] =	sbarrier.arrive $0xFFFF  }
0x6a: {  	_ =	shalt  }

// kernel: kernel.9.cloned.1.call-start
scs
__scs_entry_jumppad:
0x0: {  	(pc) =	sbr.rel $0x88, $3  }
0x1: {  	(tag) =	ssettag $0x0;
	lr =	simm.s32 $0x1  }
0x2: {  	[smem:$0x3F99] =	sst lr;
	_ =	strace $0xD0000000  }
0x3: {  	_ = 	snop  }
0x4: {  	_ = 	snop  }
0x5: {  	_ = 	snop  }
0x6: {  	_ = 	snop  }
0x7: {  	_ = 	snop  }
__scs_overlays_trampoline_lowered:
0x8: {  	[smem:$0x3FA8] =	sst s0  }
0x9: {  	[smem:$0x3FA9] =	sst s1  }
0xa: {  	[smem:$0x3FAA] =	sst s2  }
0xb: {  	[smem:$0x3FAB] =	sst s3  }
0xc: {  	[smem:$0x3FAC] =	sst s4  }
0xd: {  	[smem:$0x3FAD] =	sst s5  }
0xe: {  	[smem:$0x3FAE] =	sst s6  }
0xf: {  	[smem:$0x3FAF] =	sst s7  }
0x10: {  	[smem:$0x3FB0] =	sst s8  }
0x11: {  	[smem:$0x3FB1] =	sst s9;
	s0 =	simm.s32 @!p0 $0x0  }
0x12: {  	s1 =	sld [smem:$0x3F97];
	s0 =	simm.s32 @p0 $0x1  }
0x13: {  	[smem:$0x3FB2] =	sst s0;
	s0 =	simm.s32 @!p1 $0x0  }
0x14: {  	s2 =	sld [smem:$0x3F96];
	s0 =	simm.s32 @p1 $0x1  }
0x15: {  	[smem:$0x3FB3] =	sst s0;
	s0 =	simm.s32 @!p2 $0x0  }
0x16: {  	s3 =	sld [smem:$0x3FDB];
	s0 =	simm.s32 @p2 $0x1  }
0x17: {  	s4 =	simm.s32 $0x1BF5;
	[smem:$0x3FB5] =	sst s0  }
0x18: {  	s0 =	sld [smem:$0x3F98];
	_ =	swait.ge [sflag:s4], $0x0  }
0x19: {  	s7 =	sld [smem:$0x3F99]  }
0x1a: {  	s8 =	sadd.s32 $0xFFFFE003, lr  }
0x1b: {  	s9 =	sadd.s32 $0xFFFFFEF7, lr;
	s5 =	simm.s32 $0xFFFFFFFF;
	p2 =	slt.u32 s8, $0xFFFFF086  }
0x1c: {  	p1 =	slt.u32 s9, $0xF7A;
	s5 =	simm.s32 @!p2 $0x0  }
0x1d: {  	s5 =	simm.s32 @p1 $0x1;
	p0 =	seq.s32 s7, s2  }
0x1e: {  	s7 =	smul.u32 @!p0 $0xF7A, s2;
	p2 =	seq.s32 @!p0 s5, $0x0  }
0x1f: {  	s9 =	smul.u32 $0xF7A, s1;
	s8 =	simm.s32 @!p0 $0x1BF5;
	p2 =	por !p2, p0  }
0x20: {  	[sflag:s8] =	ssyncset.s32 @!p0 $0xFFFFF086;
	s6 =	sadd.s32 @!p0 s3, s7;
	s7 =	simm.s32 @!p0 $0x108  }
0x21: {  	s3 =	sadd.s32 s3, s9;
	s6 =	sadd.s32 @!p0 $0x88, s6;
	s7 =	simm.s32 @p2 $0x1082  }
0x22: {  	[simem:s7], [sflag:s8] =	dma.local @!p0 [hbm:s6], $0xF7A  }
0x23: {  	s9 =	sor.u32 $0xD0000000, s2;
	s6 =	simm.s32 $0x108;
	_ =	swait.ge @!p0 [sflag:s8], $0x0  }
0x24: {  	s3 =	sadd.s32 $0x88, s3;
	s6 =	simm.s32 @!p1 $0x1082;
	[sflag:s4] =	ssyncset.s32 $0xFFFFF086  }
0x25: {  	[simem:s6], [sflag:s4] =	dma.local [hbm:s3], $0xF7A  }
0x26: {  	[smem:$0x3F99] =	sst s1;
	(tag) =	ssettag s2;
	_ =	strace s9  }
0x27: {  	s1 =	sld [smem:$0x3FA9]  }
0x28: {  	s2 =	sld [smem:$0x3FAA]  }
0x29: {  	s4 =	sld [smem:$0x3FAC]  }
0x2a: {  	p0 =	seq.s32 s5, $0x0;
	s5 =	sld [smem:$0x3FAD]  }
0x2b: {  	s6 =	sld [smem:$0x3FAE]  }
0x2c: {  	s7 =	sld [smem:$0x3FAF]  }
0x2d: {  	s3 =	simm.s32 $0x108;
	s8 =	sld [smem:$0x3FB0]  }
0x2e: {  	s3 =	simm.s32 @!p0 $0x1082;
	s9 =	sld [smem:$0x3FB1]  }
0x2f: {  	lr =	sadd.s32 s0, s3;
	s0 =	sld [smem:$0x3FA8]  }
0x30: {  	s3 =	sld [smem:$0x3FAB]  }
0x31: {  	[smem:$0x3FB4] =	sst s10  }
0x32: {  	s10 =	sld [smem:$0x3FB2];
	_ =	sdelay $0x3  }
0x33: {  	p0 =	seq.s32 s10, $0x1;
	s10 =	sld [smem:$0x3FB4];
	_ =	sdelay $0x3  }
0x34: {  	[smem:$0x3FB4] =	sst s10  }
0x35: {  	s10 =	sld [smem:$0x3FB3];
	_ =	sdelay $0x3  }
0x36: {  	p1 =	seq.s32 s10, $0x1;
	s10 =	sld [smem:$0x3FB4];
	_ =	sdelay $0x3  }
0x37: {  	[smem:$0x3FB4] =	sst s10  }
0x38: {  	s10 =	sld [smem:$0x3FB5]  }
0x39: {  	_ = 	snop;
	(pc) =	sbr.ind lr, $3  }
0x3a: {  	_ = 	snop  }
0x3b: {  	_ = 	snop  }
0x3c: {  	p2 =	seq.s32 s10, $0x1;
	s10 =	sld [smem:$0x3FB4]  }
0x3d: {  	_ =	shalt  }
0x3e: {  	_ =	shalt  }
0x3f: {  	_ =	shalt  }
0x40: {  	_ =	shalt  }
0x41: {  	_ =	shalt  }
0x42: {  	_ =	shalt  }
0x43: {  	_ =	shalt  }
0x44: {  	_ =	shalt  }
0x45: {  	_ =	shalt  }
0x46: {  	_ =	shalt  }
0x47: {  	_ =	shalt  }
0x48: {  	_ =	shalt  }
0x49: {  	_ =	shalt  }
0x4a: {  	_ =	shalt  }
0x4b: {  	_ =	shalt  }
0x4c: {  	_ =	shalt  }
0x4d: {  	_ =	shalt  }
0x4e: {  	_ =	shalt  }
0x4f: {  	_ =	shalt  }
0x50: {  	_ =	shalt  }
0x51: {  	_ =	shalt  }
0x52: {  	_ =	shalt  }
0x53: {  	_ =	shalt  }
0x54: {  	_ =	shalt  }
0x55: {  	_ =	shalt  }
0x56: {  	_ =	shalt  }
0x57: {  	_ =	shalt  }
0x58: {  	_ =	shalt  }
0x59: {  	_ =	shalt  }
0x5a: {  	_ =	shalt  }
0x5b: {  	_ =	shalt  }
0x5c: {  	_ =	shalt  }
0x5d: {  	_ =	shalt  }
0x5e: {  	_ =	shalt  }
0x5f: {  	_ =	shalt  }
0x60: {  	_ =	shalt  }
0x61: {  	_ =	shalt  }
0x62: {  	_ =	shalt  }
0x63: {  	_ =	shalt  }
0x64: {  	_ =	shalt  }
0x65: {  	_ =	shalt  }
0x66: {  	_ =	shalt  }
0x67: {  	_ =	shalt  }
0x68: {  	_ =	shalt  }
0x69: {  	_ =	shalt  }
0x6a: {  	_ =	shalt  }
0x6b: {  	_ =	shalt  }
0x6c: {  	_ =	shalt  }
0x6d: {  	_ =	shalt  }
0x6e: {  	_ =	shalt  }
0x6f: {  	_ =	shalt  }
0x70: {  	_ =	shalt  }
0x71: {  	_ =	shalt  }
0x72: {  	_ =	shalt  }
0x73: {  	_ =	shalt  }
0x74: {  	_ =	shalt  }
0x75: {  	_ =	shalt  }
0x76: {  	_ =	shalt  }
0x77: {  	_ =	shalt  }
0x78: {  	_ =	shalt  }
0x79: {  	_ =	shalt  }
0x7a: {  	_ =	shalt  }
0x7b: {  	_ =	shalt  }
0x7c: {  	_ =	shalt  }
0x7d: {  	_ =	shalt  }
0x7e: {  	_ =	shalt  }
0x7f: {  	_ =	shalt  }
0x80: {  	_ =	shalt  }
0x81: {  	_ =	shalt  }
0x82: {  	_ =	shalt  }
0x83: {  	_ =	shalt  }
0x84: {  	_ =	shalt  }
0x85: {  	_ =	shalt  }
0x86: {  	_ =	shalt  }
0x87: {  	_ =	shalt  }
.Lfunc_end0:
.L_simem_size_0:
called_computation.1_lowered:
.L_overlay_start_0:
0x88: {  	s2 =	sld [smem:$0x3FD9]  }
0x89: {  	s3 =	sld [smem:$0x3FFE];
	_ =	sdelay $0x1  }
0x8a: {  	s1 =	srdreg.scid  }
0x8b: {  	s0 =	sand.u32 $0x1, s1  }
0x8c: {  	s17 =	sshll.u32 s0, $0xA;
	s2 =	sadd.s32 s3, s2  }
0x8d: {  	s2 =	sadd.s32 s2, s17  }
0x8e: {  	[smem:$0x3FC0] =	sst s2  }
0x8f: {  	_ = 	snop  }
0x90: {  	s2 =	sld [smem:$0x3FD0];
	(tm) =	ssettm $0x1  }
0x91: {  	s18 =	sld [smem:$0x3FFB];
	_ =	sdelay $0x3  }
0x92: {  	_ =	strace s18  }
0x93: {  	s3 =	sld [smem:$0x3FFC];
	_ =	sdelay $0x3  }
0x94: {  	_ =	strace s3  }
0x95: {  	s3 =	sld [smem:$0x3FFD];
	_ =	sdelay $0x3  }
0x96: {  	_ =	strace s3  }
0x97: {  	_ =	strace $0x8FFFFFFF  }
0x98: {  	s19 =	sld [smem:$0x3FDB];
	_ =	sdelay $0x1  }
0x99: {  	s4 =	simm.s32 $_scs_section_size  }
0x9a: {  	s5 =	simm.s32 $_size__tile_overlayer_lowered;
	s6 =	simm.s32 $_tile_overlayer_lowered  }
0x9b: {  	s22 =	simm.s32 $0x1BFF;
	s21 =	sshll.u32 s6, $0x1;
	s3 =	sadd.s32 s4, s19  }
0x9c: {  	s7 =	simm.s32 $0x0;
	s20 =	sshll.u32 s5, $0x1;
	s5 =	sadd.s32 s21, s3  }
0x9d: {  	[timem:s7], [sflag:s22] =	dma.local [hbm:s5], s20  }
0x9e: {  	_ =	swait.ge [sflag:s22], s20  }
0x9f: {  	s4 =	ssub.s32 $0x0, s20;
	[sflag:s22] =	ssyncset.done $0x0  }
0xa0: {  	[sflag:s22] =	ssyncadd.s32 s4;
	_ =	sdelay $0x1  }
0xa1: {  	s23 =	simm.s32 $0x1B8B  }
0xa2: {  	_ =	swait.ge [sflag:s23], $0x1  }
0xa3: {  	[sflag:s23] =	ssyncset.done $0x0  }
0xa4: {  	s25 =	simm.s32 $0x1B8E;
	s24 =	sld [smem:$0x3FFE];
	[sflag:s23] =	ssyncadd.s32 $0xFFFFFFFF  }
0xa5: {  	s26 =	simm.s32 $execute0_lowered;
	[smem:$0x3FD2] =	sst s25  }
0xa6: {  	s5 =	sshll.u32 s26, $0x1;
	_ =	strace $0x80000049;
	[dreg:$0x1] =	wrdreg $0xFFFFFFFF  }
0xa7: {  	s28 =	simm.s32 $_size_execute0_lowered;
	s3 =	sadd.s32 s3, s5;
	[dreg:$0x0] =	wrdreg $0x0  }
0xa8: {  	s5 =	sshll.u32 s28, $0x1;
	[dreg:$0x2] =	wrdreg s3  }
0xa9: {  	[dreg:$0x3] =	wrdreg s5  }
0xaa: {  	[dreg:$0x4] =	wrdreg $0xC0  }
0xab: {  	_ =	task [dreg:s7], $0x5FFFF  }
0xac: {  	[dreg:$0x1] =	wrdreg $0xFFFFFFFF  }
0xad: {  	[dreg:$0x0] =	wrdreg $0x60  }
0xae: {  	[dreg:$0x2] =	wrdreg s24  }
0xaf: {  	[dreg:$0x3] =	wrdreg s2  }
0xb0: {  	[dreg:$0x4] =	wrdreg $0x50000  }
0xb1: {  	[dreg:$0x5] =	wrdreg $0x9  }
0xb2: {  	_ =	task.clear_ibuf [dreg:s7], $0x6FFFF;
	_ =	strace $0x90000049  }
0xb3: {  	s29 =	simm.s32 $0x9;
	_ =	strace $0x8000004B  }
0xb4: {  	_ =	swait.ge [sflag:s29], $0x1  }
0xb5: {  	[sflag:s29] =	ssyncadd.s32 $0xFFFFFFFF  }
0xb6: {  	_ =	strace $0x9000004B  }
0xb7: {  	_ =	sfence  }
0xb8: {  	s30 =	sld [smem:$0x0];
	_ =	sdelay $0x2  }
0xb9: {  	s31 =	sshll.u32 s1, $0xD;
	s1 =	sshrl.u32 s1, $0x2  }
0xba: {  	s3 =	sand.u32 $0x4000, s31;
	s1 =	sadd.s32 s1, s30  }
0xbb: {  	s0 =	sor.u32 s3, s0;
	s1 =	sshll.u32 s1, $0x11  }
0xbc: {  	s0 =	sor.u32 s1, s0  }
0xbd: {  	s0 =	sadd.s32 $0x8F2B, s0  }
0xbe: {  	[sflag:s0] =	ssyncadd.remote.s32 $0x1  }
0xbf: {  	_ =	sfence.sel $0xFFFF  }
0xc0: {  	[dreg:$0x0] =	wrdreg $0xFFFFFFFF;
	(pc) =	sbr.abs _section_cstart, $3  }
0xc1: {  	[dreg:$0x1] =	wrdreg $0xFFFFFFFF  }
0xc2: {  	_ =	task.clear_ibuf [dreg:s7], $0x2FFFF;
	_ =	strace $0x9FFFFFFF  }
0xc3: {  	(tm) =	ssettm $0x7FFFFFFF  }
tec
execute0_lowered:
.L_overlay_start_1:
0x0: {  	(tag) =	ssettag $0x1  }
0x1: {  	s8 =	rddreg [dreg:$0x0]  }
0x2: {  	s1 =	rddreg [dreg:$0x1]  }
0x3: {  	s3 =	rddreg [dreg:$0x2]  }
0x4: {  	s0 =	rddreg [dreg:$0x3]  }
0x5: {  	s4 =	simm.s32 $0x0;
	s5 =	srdreg.scid;
	s2 =	stileid.u32  }
0x6: {  	s14 =	simm.s32 $0x800;
	s15 =	simm.s32 $0x40;
	s16 =	simm.s32 $0x1000  }
0x7: {  	s17 =	simm.s32 $0x3000;
	s18 =	simm.s32 $0x1;
	s19 =	simm.s32 $0x2  }
0x8: {  	s20 =	simm.s32 $0xF80;
	s21 =	simm.s32 $0xFC0;
	[smem:$0x7FF] =	sst s4  }
0x9: {  	s9 =	sand.u32 $0x1, s5;
	s10 =	smul.u32 $0x2800, s2;
	s5 =	sadd.s32 $0x1200, s8  }
0xa: {  	s6 =	sadd.s32 $0x2E200, s8;
	s7 =	sadd.s32 $0x29200, s8;
	s13 =	smul.u32 $0x50000, s2  }
0xb: {  	s29 =	sshll.u32 s2, $0x1;
	s31 =	sshll.u32 s2, $0x6;
	_ =	strace $0x8000004A  }
0xc: {  	s11 =	smul.u32 $0x28000, s9;
	s12 =	ssub.s32 $0x2, s9;
	s9 =	sor.u32 s9, s29  }
0xd: {  	s28 =	sshrl.u32 s12, $0x1;
	s30 =	sshrl.u32 s13, $0x2;
	s9 =	smul.u32 $0x2800, s9  }
0xe: {  	s10 =	sadd.s32 s10, s11;
	s11 =	ssub.s32 s12, s28;
	s13 =	sadd.s32 s30, s3  }
0xf: {  	s10 =	sadd.s32 s10, s8;
	s8 =	sor.u32 $0x1C03, s31;
	s11 =	smax.u32 s11, $0x1  }
0x10: {  	s12 =	sshrl.u32 s13, $0x3;
	s13 =	simm.s32 $0x3;
	s10 =	sadd.s32 $0x38200, s10  }
.LBB2_1:
0x11: {  	[spmem:s12], [sflag:s8] =	dma.local [hbm:s7], $0x2800  }
0x12: {  	_ =	swait.ge [sflag:s13], $0x2800  }
0x13: {  	[sflag:s13] =	ssyncset.done $0x0  }
0x14: {  	[sflag:s13] =	ssyncadd.s32 $0xFFFFD800  }
0x15: {  	s22 =	simm.s32 $0x0;
	[bflag:$0x0] =	sbarrier.arrive $0xFFFF  }
.LBB2_2:
0x16: {  	s23 =	sshll.u32 s22, $0xB  }
0x17: {  	s23 =	sadd.s32 s9, s23  }
0x18: {  	s23 =	sshrl.u32 s23, $0x3  }
0x19: {  	s25 =	simm.s32 $0x0;
	s24 =	sadd.s32 s1, s23  }
0x1a: {  	[tilespmem:s25], [sflag:$0x3] =	stream.linear.gather [hbm4b:s24+s25], $0x800, $0x38;
	[tilespmem:$0x19000] =	vst v63  }
0x1b: {  	_ =	swait.ge [sflag:s13], $0x800  }
0x1c: {  	[sflag:s13] =	ssyncset.done $0x0  }
0x1d: {  	s23 =	sadd.s32 s6, s23;
	[sflag:s13] =	ssyncadd.s32 $0xFFFFF800  }
0x1e: {  	[tilespmem:s14], [sflag:$0x3] =	stream.linear.gather [hbm4b:s23+s25], $0x800, $0x38;
	[tilespmem:$0x19000] =	vst v63  }
0x1f: {  	_ =	swait.ge [sflag:s13], $0x800  }
0x20: {  	[sflag:s13] =	ssyncset.done $0x0  }
0x21: {  	[sflag:s13] =	ssyncadd.s32 $0xFFFFF800  }
0x22: {  	[tilespmem:s16], [sflag:$0x1] =	stream.indirect.gather [hbm4b:s5+s15], $0x80, s25, s15, $0xb8;
	[tilespmem:$0x19000] =	vst v63  }
0x23: {  	_ = 	snop  }
0x24: {  	[tilespmem:s17], [sflag:$0x2] =	stream.indirect.gather [hbm4b:s5+s15], $0x80, s15, s15, $0xb8;
	[tilespmem:$0x19000] =	vst v63  }
0x25: {  	_ =	swait.ge [sflag:s18], $0x2000  }
0x26: {  	[sflag:s18] =	ssyncset.done $0x0  }
0x27: {  	s29 =	simm.s32 $0x800;
	[sflag:s18] =	ssyncadd.s32 $0xFFFFE000  }
0x28: {  	[spmem:s3] =	stream.indirect.scatter.add.f32 [tilespmem:s16], [sflag:$0x3], $0x80, s29, s15, $0xb8;
	[tilespmem:$0x19000] =	vst v63  }
0x29: {  	_ =	swait.ge [sflag:s13], $0x2000  }
0x2a: {  	[sflag:s13] =	ssyncset.done $0x0  }
0x2b: {  	s30 =	simm.s32 $0x80;
	[sflag:s13] =	ssyncadd.s32 $0xFFFFE000  }
0x2c: {  	[tilespmem:s16], [sflag:$0x1] =	stream.indirect.gather [hbm4b:s5+s15], $0x80, s30, s15, $0xb8;
	[tilespmem:$0x19000] =	vst v63  }
0x2d: {  	_ =	swait.ge [sflag:s19], $0x2000  }
0x2e: {  	[sflag:s19] =	ssyncset.done $0x0  }
0x2f: {  	s31 =	simm.s32 $0x840;
	[sflag:s19] =	ssyncadd.s32 $0xFFFFE000  }
0x30: {  	[spmem:s3] =	stream.indirect.scatter.add.f32 [tilespmem:s17], [sflag:$0x3], $0x80, s31, s15, $0xb8;
	[tilespmem:$0x19000] =	vst v63  }
0x31: {  	_ =	swait.ge [sflag:s13], $0x2000  }
0x32: {  	[sflag:s13] =	ssyncset.done $0x0  }
0x33: {  	s24 =	simm.s32 $0xC0;
	s23 =	simm.s32 $0x200;
	[sflag:s13] =	ssyncadd.s32 $0xFFFFE000  }
.LBB2_3:
0x34: {  	[tilespmem:s17], [sflag:$0x2] =	stream.indirect.gather [hbm4b:s5+s15], $0x80, s24, s15, $0xb8;
	[tilespmem:$0x19000] =	vst v63  }
0x35: {  	s24 =	smov.u32 s23  }
0x36: {  	p0 =	sne.s32 s23, $0x1C00;
	s23 =	sadd.s32 $0x200, s23;
	_ =	swait.ge [sflag:s18], $0x2000  }
0x37: {  	s24 =	sshra.s32 s24, $0x2;
	[sflag:s18] =	ssyncset.done $0x0  }
0x38: {  	s25 =	sadd.s32 $0x800, s24;
	[sflag:s18] =	ssyncadd.s32 $0xFFFFE000  }
0x39: {  	[spmem:s3] =	stream.indirect.scatter.add.f32 [tilespmem:s16], [sflag:$0x3], $0x80, s25, s15, $0xb8;
	[tilespmem:$0x19000] =	vst v63  }
0x3a: {  	_ =	swait.ge [sflag:s13], $0x2000  }
0x3b: {  	[sflag:s13] =	ssyncset.done $0x0  }
0x3c: {  	s25 =	sadd.s32 $0x80, s24;
	[sflag:s13] =	ssyncadd.s32 $0xFFFFE000  }
0x3d: {  	[tilespmem:s16], [sflag:$0x1] =	stream.indirect.gather [hbm4b:s5+s15], $0x80, s25, s15, $0xb8;
	[tilespmem:$0x19000] =	vst v63  }
0x3e: {  	_ =	swait.ge [sflag:s19], $0x2000  }
0x3f: {  	[sflag:s19] =	ssyncset.done $0x0  }
.Ltmp0:
0x40: {  	s25 =	sadd.s32 $0x840, s24;
	[sflag:s19] =	ssyncadd.s32 $0xFFFFE000;
	(pc) =	sbr.rel @p0 .LBB2_3-.Ltmp0, $4  }
0x41: {  	[spmem:s3] =	stream.indirect.scatter.add.f32 [tilespmem:s17], [sflag:$0x3], $0x80, s25, s15, $0xb8;
	[tilespmem:$0x19000] =	vst v63  }
0x42: {  	_ =	swait.ge [sflag:s13], $0x2000  }
0x43: {  	[sflag:s13] =	ssyncset.done $0x0  }
0x44: {  	s24 =	sadd.s32 $0xC0, s24;
	[sflag:s13] =	ssyncadd.s32 $0xFFFFE000  }
0x45: {  	[tilespmem:s17], [sflag:$0x2] =	stream.indirect.gather [hbm4b:s5+s15], $0x80, s24, s15, $0xb8;
	[tilespmem:$0x19000] =	vst v63  }
0x46: {  	_ =	swait.ge [sflag:s18], $0x2000  }
0x47: {  	[sflag:s18] =	ssyncset.done $0x0  }
0x48: {  	[sflag:s18] =	ssyncadd.s32 $0xFFFFE000  }
0x49: {  	[spmem:s3] =	stream.indirect.scatter.add.f32 [tilespmem:s16], [sflag:$0x3], $0x80, s20, s15, $0xb8;
	[tilespmem:$0x19000] =	vst v63  }
0x4a: {  	_ =	swait.ge [sflag:s13], $0x2000  }
0x4b: {  	[sflag:s13] =	ssyncset.done $0x0  }
0x4c: {  	[sflag:s13] =	ssyncadd.s32 $0xFFFFE000  }
0x4d: {  	s22 =	sadd.s32 $0x1, s22;
	_ =	swait.ge [sflag:s19], $0x2000  }
0x4e: {  	p0 =	sne.s32 s22, $0x5;
	[sflag:s19] =	ssyncset.done $0x0  }
.Ltmp1:
0x4f: {  	[sflag:s19] =	ssyncadd.s32 $0xFFFFE000;
	(pc) =	sbr.rel @p0 .LBB2_2-.Ltmp1, $4  }
0x50: {  	[spmem:s3] =	stream.indirect.scatter.add.f32 [tilespmem:s17], [sflag:$0x3], $0x80, s21, s15, $0xb8;
	[tilespmem:$0x19000] =	vst v63  }
0x51: {  	_ =	swait.ge [sflag:s13], $0x2000  }
0x52: {  	[sflag:s13] =	ssyncset.done $0x0  }
0x53: {  	[sflag:s13] =	ssyncadd.s32 $0xFFFFE000  }
0x54: {  	s4 =	sadd.s32 $0x1, s4  }
0x55: {  	p0 =	sne.s32 s4, s11  }
.Ltmp2:
0x56: {  	[bflag:$0x0] =	sbarrier.arrive $0xFFFF;
	(pc) =	sbr.rel @p0 .LBB2_1-.Ltmp2, $4  }
0x57: {  	[hbm:s10], [sflag:s8] =	dma.local [spmem:s12], $0x2800  }
0x58: {  	_ =	swait.ge [sflag:s13], $0x2800  }
0x59: {  	[sflag:s13] =	ssyncset.done $0x0  }
0x5a: {  	[sflag:s13] =	ssyncadd.s32 $0xFFFFD800  }
0x5b: {  	_ =	sfence.sel $0x180000  }
0x5c: {  	[bflag:$0x0] =	sbarrier.arrive $0xFFFF  }
0x5d: {  	p0 =	sne.s32 s2, $0x0;
	_ =	strace $0x9000004A  }
0x5e: {  	s0 =	sadd.s32 @!p0 $0x100000, s0;
	[bflag:$0x2] =	sbarrier.arrive $0xFFFF  }
0x5f: {  	[sflag:s0] =	ssyncadd.tile.s32 @!p0 $0x1;
	_ =	shalt  }
.Lfunc_end2:
_tile_overlayer_lowered:
.L_overlay_start_2:
0x60: {  	(tag) =	ssettag $0x2  }
0x61: {  	s0 =	rddreg [dreg:$0x0];
	s2 =	stileid.u32  }
0x62: {  	s1 =	rddreg [dreg:$0x1];
	p0 =	sne.s32 s2, $0x0  }
0x63: {  	s3 =	rddreg [dreg:$0x2];
	[bflag:$0x3] =	sbarrier.arrive $0xFFFF;
	s2 =	simm.s32 @!p0 $0x1C03  }
0x64: {  	[timem:s3], [sflag:s2] =	dma.local @!p0 [hbm:s0], s1  }
0x65: {  	s0 =	simm.s32 @!p0 $0x3  }
0x66: {  	_ =	swait.ge @!p0 [sflag:s0], s1  }
0x67: {  	s1 =	ssub.s32 @!p0 $0x0, s1;
	[sflag:s0] =	ssyncset.done @!p0 $0x0  }
0x68: {  	[sflag:s0] =	ssyncadd.s32 @!p0 s1  }
0x69: {  	[bflag:$0x3] =	sbarrier.arrive $0xFFFF  }
0x6a: {  	_ =	shalt  }

</sc_bundles>
